<compile_context>
chip_gen: v7x
topology: tpu7x:2x2x1
jax: 0.10.2.dev20260603
libtpu: 0.0.44.dev20260713+nightly
codegen_flags: <defaults>
</compile_context>

<pallas_src>
import functools

import jax
import jax.numpy as jnp
from jax import lax
from jax.experimental import pallas as pl
from jax.experimental.pallas import tpu as pltpu
from jax.experimental.pallas import tpu_sc as plsc

X_DIM = 64
X_RANGE = 1.0
GRID_SCALE = 2.0 * X_RANGE / (X_DIM - 1)
HALF_LOG2PI = 0.9189385332046727

NC = 2
NS = 16
LANES = 16
NW = NC * NS


def _tc_body(xr_ref, w_ref, bt_ref, ls_ref, m_ref, d_ref, ent_ref):
    pack = xr_ref.shape[1]
    parts = [
        jnp.dot(xr_ref[:, rho, :], w_ref[...],
                preferred_element_type=jnp.float32)
        for rho in range(pack)
    ]
    mp = jnp.concatenate(parts, axis=1) + bt_ref[...]
    m_ref[...] = mp

    ls = ls_ref[0, 0]
    s = jnp.exp(ls)
    neg_inv2s2 = -0.5 / (s * s)
    c = ls + HALF_LOG2PI

    def grid_body(k, acc):
        g = k.astype(jnp.float32) * GRID_SCALE - X_RANGE
        t = g - mp
        return acc + jnp.exp(jnp.exp(t * t * neg_inv2s2 - c))

    d_ref[...] = lax.fori_loop(
        0, X_DIM, grid_body, jnp.zeros_like(mp), unroll=8
    )

    @pl.when(pl.program_id(0) == 0)
    def _():
        mo = ls_ref.shape[1]
        tot = 0.0
        for j in range(mo):
            tot = tot + ls_ref[0, j]
        ent_ref[0, 0] = 0.5 + HALF_LOG2PI + tot / mo


def _tc_stage(xr, W, bt, ls2):
    rows, pack, feat = xr.shape
    mo = W.shape[1]
    blk = 256
    return pl.pallas_call(
        _tc_body,
        grid=(rows // blk,),
        in_specs=[
            pl.BlockSpec((blk, pack, feat), lambda i: (i, 0, 0)),
            pl.BlockSpec((feat, mo), lambda i: (0, 0)),
            pl.BlockSpec((1, 128), lambda i: (0, 0)),
            pl.BlockSpec(memory_space=pltpu.SMEM),
        ],
        out_specs=[
            pl.BlockSpec((blk, 128), lambda i: (i, 0)),
            pl.BlockSpec((blk, 128), lambda i: (i, 0)),
            pl.BlockSpec(memory_space=pltpu.SMEM),
        ],
        out_shape=[
            jax.ShapeDtypeStruct((rows, 128), jnp.float32),
            jax.ShapeDtypeStruct((rows, 128), jnp.float32),
            jax.ShapeDtypeStruct((1, 1), jnp.float32),
        ],
    )(xr, W, bt, ls2)


ECH = 4


def _sc_epoch_kernel(epochs, n):
    cols = n // NW
    nchunks = epochs // ECH
    mesh = plsc.VectorSubcoreMesh(core_axis_name="c", subcore_axis_name="s")

    @functools.partial(
        pl.kernel,
        out_type=jax.ShapeDtypeStruct((epochs, n), jnp.float32),
        mesh=mesh,
        scratch_types=[
            pltpu.VMEM((cols,), jnp.float32),
            pltpu.VMEM((cols,), jnp.float32),
            pltpu.VMEM((16,), jnp.float32),
            pltpu.VMEM((2, ECH, cols), jnp.int32),
            pltpu.VMEM((2, ECH, cols), jnp.float32),
            pltpu.SemaphoreType.DMA,
            pltpu.SemaphoreType.DMA,
            pltpu.SemaphoreType.DMA,
            pltpu.SemaphoreType.DMA,
        ],
    )
    def body(m_hbm, d_hbm, ls_hbm, act_hbm, out_hbm,
             mm_v, invd_v, ls_v, a_v, o_v, is0, is1, os0, os1):
        wid = lax.axis_index("s") * NC + lax.axis_index("c")
        base = wid * cols
        pltpu.async_copy(
            act_hbm.at[pl.ds(0, ECH), pl.ds(base, cols)], a_v.at[0], is0)
        pltpu.sync_copy(m_hbm.at[pl.ds(base, cols)], mm_v)
        pltpu.sync_copy(d_hbm.at[pl.ds(base, cols)], invd_v)
        pltpu.sync_copy(ls_hbm, ls_v)

        ls = ls_v[...]
        sv = jnp.exp(ls)
        neg_inv2s2 = -0.5 / (sv * sv)
        ncc = -(ls + HALF_LOG2PI)

        @plsc.parallel_loop(0, cols // LANES, unroll=4)
        def _(i):
            sl = pl.ds(i * LANES, LANES)
            mm_v[sl] = mm_v[sl] + X_RANGE
            invd_v[sl] = 1.0 / invd_v[sl]

        isems = (is0, is1)
        osems = (os0, os1)

        def start_in(ck, buf):
            pltpu.async_copy(
                act_hbm.at[pl.ds(ck * ECH, ECH), pl.ds(base, cols)],
                a_v.at[buf], isems[buf])

        def wait_in(buf):
            pltpu.make_async_copy(
                act_hbm.at[pl.ds(0, ECH), pl.ds(base, cols)],
                a_v.at[buf], isems[buf]).wait()

        def start_out(ck, buf):
            pltpu.async_copy(
                o_v.at[buf],
                out_hbm.at[pl.ds(ck * ECH, ECH), pl.ds(base, cols)],
                osems[buf])

        def wait_out(buf):
            pltpu.make_async_copy(
                o_v.at[buf],
                out_hbm.at[pl.ds(0, ECH), pl.ds(base, cols)],
                osems[buf]).wait()

        def compute(buf):
            @plsc.parallel_loop(0, cols // LANES, unroll=2)
            def _(i):
                sl = pl.ds(i * LANES, LANES)
                mm = mm_v[sl]
                iv = invd_v[sl]
                for ep in range(ECH):
                    t = a_v[buf, ep, sl].astype(jnp.float32) * GRID_SCALE - mm
                    p = jnp.exp(t * t * neg_inv2s2 + ncc)
                    o_v[buf, ep, sl] = jnp.exp(p) * iv

        def pair_body(i, _):
            ck0 = i * 2
            start_in(ck0 + 1, 1)
            wait_in(0)

            @pl.when(i > 0)
            def _():
                wait_out(0)

            compute(0)
            start_out(ck0, 0)

            @pl.when(ck0 + 2 < nchunks)
            def _():
                start_in(ck0 + 2, 0)

            wait_in(1)

            @pl.when(i > 0)
            def _():
                wait_out(1)

            compute(1)
            start_out(ck0 + 1, 1)
            return 0

        lax.fori_loop(0, nchunks // 2, pair_body, 0)
        wait_out(0)
        wait_out(1)

    return body


def kernel(x, actions, W, b, logstd):
    lutnum = x.shape[0]
    mo = W.shape[1]
    n = lutnum * mo
    epochs = actions.shape[0]

    pack = 128 // mo
    feat = x.shape[1]
    xr = x.reshape(lutnum // pack, pack, feat)
    bt = jnp.tile(b, pack).reshape(1, 128).astype(jnp.float32)
    ls2 = logstd.reshape(1, mo).astype(jnp.float32)

    mp, dp, ent = _tc_stage(xr, W.astype(jnp.float32), bt, ls2)
    out = _sc_epoch_kernel(epochs, n)(
        mp.reshape(n), dp.reshape(n), logstd, actions
    )
    return out, ent[0, 0]

# --- scband reference (transcript-rebuilt; emitter-appended) ---
"""Pipeline reference for scband-actor-68521908240570 (READ-ONLY COPY).

The authoritative reference and input builder live on the scoring server;
editing this copy changes nothing except your own understanding.
"""

import jax, jax.numpy as jnp
import numpy as np

LUTNUM = 8192
MODEL_OUTPUTS = 16
X_DIM = 64
FEATURE_NUM = 128
X_RANGE = 1.0
THR_STD = 0.1
EPOCHS = 64
N = LUTNUM * MODEL_OUTPUTS


def setup_inputs(seed: int = 0) -> dict:
    key = jax.random.key(seed)
    k1, k2, k3 = jax.random.split(key, 3)
    x = jax.random.normal(k1, (LUTNUM, FEATURE_NUM), dtype=jnp.float32)
    actions = jax.random.randint(k2, (EPOCHS, N), 0, X_DIM, dtype=jnp.int32)
    # DiagGaussian params for the x-head (idx=0 path of actor_critic_layer)
    W = 0.02 * jax.random.normal(k3, (FEATURE_NUM, MODEL_OUTPUTS), dtype=jnp.float32)
    b = jnp.zeros((MODEL_OUTPUTS,), dtype=jnp.float32)
    logstd = jnp.full((MODEL_OUTPUTS,), np.log(THR_STD), dtype=jnp.float32)
    return {"x": x, "actions": actions, "W": W, "b": b, "logstd": logstd}


def reference(x, actions, W, b, logstd):
    # actor_critic_layer(x, action, idx=0):
    # dist_x = DiagGaussian(x); discrete = softmax(dist_x.log_probs(x_dist).exp().T, dim=1)
    mean = x @ W + b                                   # [LUTNUM, MODEL_OUTPUTS]
    std = jnp.exp(jnp.broadcast_to(logstd, mean.shape))
    mean_flat = mean.reshape(-1)                       # [N]
    std_flat = std.reshape(-1)                         # [N]
    # x_dist: linspace(-x_range, x_range, x_dim) replicated over lutnum*model_outputs cols
    grid = jnp.linspace(-X_RANGE, X_RANGE, X_DIM).astype(jnp.float32)  # [X_DIM]
    value = grid[:, None]                              # [X_DIM, 1] broadcast vs [N]
    log_probs = (-((value - mean_flat[None, :]) ** 2) / (2.0 * std_flat[None, :] ** 2)
                 - jnp.log(std_flat)[None, :]
                 - 0.5 * jnp.log(2.0 * jnp.pi))        # [X_DIM, N]
    discrete = jax.nn.softmax(jnp.exp(log_probs).T, axis=1)  # [N, X_DIM]
    # per-epoch gather: action_log_probs[i] = discrete.gather(dim=1, index=action[i])
    gathered = jnp.take_along_axis(discrete, actions.T.astype(jnp.int32), axis=1)  # [N, EPOCHS]
    action_log_probs = gathered.T                      # [EPOCHS, N]
    # dist entropy of diagonal Gaussian, mean-reduced
    dist_entropy = jnp.mean(0.5 + 0.5 * jnp.log(2.0 * jnp.pi) + jnp.broadcast_to(logstd, mean.shape))
    return (action_log_probs, dist_entropy)

if __name__ == "__main__":
    import jax
    _d = setup_inputs()
    print(jax.jit(kernel)(*tuple(_d.values())))

</pallas_src>

<mosaic_0001>
#map = affine_map<(d0, d1) -> (0)>
#map1 = affine_map<(d0, d1) -> (0, 0)>
module attributes {stable_mosaic.version = 14 : i64} {
  func.func @body(%arg0: i32, %arg1: i32, %arg2: memref<131072xf32, #tpu.memory_space<hbm>>, %arg3: memref<131072xf32, #tpu.memory_space<hbm>>, %arg4: memref<16xf32, #tpu.memory_space<hbm>>, %arg5: memref<64x131072xi32, #tpu.memory_space<hbm>>, %arg6: memref<64x131072xf32, #tpu.memory_space<hbm>>, %arg7: memref<4096xf32, #tpu.memory_space<vmem>>, %arg8: memref<4096xf32, #tpu.memory_space<vmem>>, %arg9: memref<16xf32, #tpu.memory_space<vmem>>, %arg10: memref<2x4x4096xi32, #tpu.memory_space<vmem>>, %arg11: memref<2x4x4096xf32, #tpu.memory_space<vmem>>, %arg12: memref<!tpu.dma_semaphore, #tpu.memory_space<semaphore_mem>>, %arg13: memref<!tpu.dma_semaphore, #tpu.memory_space<semaphore_mem>>, %arg14: memref<!tpu.dma_semaphore, #tpu.memory_space<semaphore_mem>>, %arg15: memref<!tpu.dma_semaphore, #tpu.memory_space<semaphore_mem>>) attributes {dimension_semantics = [#tpu.dimension_semantics<core_parallel>, #tpu.dimension_semantics<subcore_parallel>], iteration_bounds = array<i64: 2, 16>, scalar_prefetch = 0 : i64, scratch_operands = 9 : i64, tpu.core_type = #tpu.core_type<sc_vector_subcore>, window_params = [{transform_indices = #map}, {transform_indices = #map}, {transform_indices = #map}, {transform_indices = #map1}, {transform_indices = #map1}]} {
    %mul3A = arith.constant 2 : i32
    %mul3A_0 = arith.muli %arg1, %mul3A : i32
    %add3A = arith.addi %mul3A_0, %arg0 : i32
    %mul3A_1 = arith.constant 4096 : i32
    %mul3A_2 = arith.muli %add3A, %mul3A_1 : i32
    %dma_start3A = arith.constant 0 : i32
    %dma_start3A_3 = arith.constant 0 : i32
    %dma_start3A_4 = arith.constant 0 : i32
    %dma_start3A_5 = tpu.memref_slice %arg10[%dma_start3A, %dma_start3A_3, %dma_start3A_4] : memref<2x4x4096xi32, #tpu.memory_space<vmem>> -> memref<1x4x4096xi32, #tpu.memory_space<vmem>>
    %dma_start3A_6 = tpu.memref_squeeze %dma_start3A_5 : memref<1x4x4096xi32, #tpu.memory_space<vmem>> -> memref<4x4096xi32, #tpu.memory_space<vmem>>
    %dma_start3A_7 = arith.constant 0 : i32
    %dma_start3A_8 = tpu.memref_slice %arg5[%dma_start3A_7, %mul3A_2] : memref<64x131072xi32, #tpu.memory_space<hbm>> -> memref<4x4096xi32, #tpu.memory_space<hbm>>
    %dma_start3A_9 = arith.constant 0 : i32
    %dma_start3A_10 = arith.constant 0 : i32
    %dma_start3A_11 = tpu.memref_slice %arg10[%dma_start3A, %dma_start3A_9, %dma_start3A_10] : memref<2x4x4096xi32, #tpu.memory_space<vmem>> -> memref<1x4x4096xi32, #tpu.memory_space<vmem>>
    %dma_start3A_12 = tpu.memref_squeeze %dma_start3A_11 : memref<1x4x4096xi32, #tpu.memory_space<vmem>> -> memref<4x4096xi32, #tpu.memory_space<vmem>>
    %dma_start3A_13 = arith.constant 0 : i32
    %dma_start3A_14 = tpu.memref_slice %arg5[%dma_start3A_13, %mul3A_2] : memref<64x131072xi32, #tpu.memory_space<hbm>> -> memref<4x4096xi32, #tpu.memory_space<hbm>>
    tpu.enqueue_dma source(%dma_start3A_14 : memref<4x4096xi32, #tpu.memory_space<hbm>>) target(%dma_start3A_12 : memref<4x4096xi32, #tpu.memory_space<vmem>>) target_semaphore(%arg12 : memref<!tpu.dma_semaphore, #tpu.memory_space<semaphore_mem>>)
    "tpu.region"() ({
      %run_scoped3A = tpu.sem_alloc : memref<!tpu.dma_semaphore, #tpu.memory_space<semaphore_mem>>
      %dma_start3A_58 = tpu.memref_slice %arg2[%mul3A_2] : memref<131072xf32, #tpu.memory_space<hbm>> -> memref<4096xf32, #tpu.memory_space<hbm>>
      %dma_start3A_59 = tpu.memref_slice %arg2[%mul3A_2] : memref<131072xf32, #tpu.memory_space<hbm>> -> memref<4096xf32, #tpu.memory_space<hbm>>
      tpu.enqueue_dma source(%dma_start3A_59 : memref<4096xf32, #tpu.memory_space<hbm>>) target(%arg7 : memref<4096xf32, #tpu.memory_space<vmem>>) target_semaphore(%run_scoped3A : memref<!tpu.dma_semaphore, #tpu.memory_space<semaphore_mem>>)
      %dma_wait3A_60 = tpu.memref_slice %arg2[%mul3A_2] : memref<131072xf32, #tpu.memory_space<hbm>> -> memref<4096xf32, #tpu.memory_space<hbm>>
      %dma_wait3A_61 = tpu.memref_slice %arg2[%mul3A_2] : memref<131072xf32, #tpu.memory_space<hbm>> -> memref<4096xf32, #tpu.memory_space<hbm>>
      tpu.wait_dma2 semaphore(%run_scoped3A : memref<!tpu.dma_semaphore, #tpu.memory_space<semaphore_mem>>) src(%dma_wait3A_61 : memref<4096xf32, #tpu.memory_space<hbm>>) dst(%arg7 : memref<4096xf32, #tpu.memory_space<vmem>>)
      tpu.yield
    }) : () -> ()
    "tpu.region"() ({
      %run_scoped3A = tpu.sem_alloc : memref<!tpu.dma_semaphore, #tpu.memory_space<semaphore_mem>>
      %dma_start3A_58 = tpu.memref_slice %arg3[%mul3A_2] : memref<131072xf32, #tpu.memory_space<hbm>> -> memref<4096xf32, #tpu.memory_space<hbm>>
      %dma_start3A_59 = tpu.memref_slice %arg3[%mul3A_2] : memref<131072xf32, #tpu.memory_space<hbm>> -> memref<4096xf32, #tpu.memory_space<hbm>>
      tpu.enqueue_dma source(%dma_start3A_59 : memref<4096xf32, #tpu.memory_space<hbm>>) target(%arg8 : memref<4096xf32, #tpu.memory_space<vmem>>) target_semaphore(%run_scoped3A : memref<!tpu.dma_semaphore, #tpu.memory_space<semaphore_mem>>)
      %dma_wait3A_60 = tpu.memref_slice %arg3[%mul3A_2] : memref<131072xf32, #tpu.memory_space<hbm>> -> memref<4096xf32, #tpu.memory_space<hbm>>
      %dma_wait3A_61 = tpu.memref_slice %arg3[%mul3A_2] : memref<131072xf32, #tpu.memory_space<hbm>> -> memref<4096xf32, #tpu.memory_space<hbm>>
      tpu.wait_dma2 semaphore(%run_scoped3A : memref<!tpu.dma_semaphore, #tpu.memory_space<semaphore_mem>>) src(%dma_wait3A_61 : memref<4096xf32, #tpu.memory_space<hbm>>) dst(%arg8 : memref<4096xf32, #tpu.memory_space<vmem>>)
      tpu.yield
    }) : () -> ()
    "tpu.region"() ({
      %run_scoped3A = tpu.sem_alloc : memref<!tpu.dma_semaphore, #tpu.memory_space<semaphore_mem>>
      tpu.enqueue_dma source(%arg4 : memref<16xf32, #tpu.memory_space<hbm>>) target(%arg9 : memref<16xf32, #tpu.memory_space<vmem>>) target_semaphore(%run_scoped3A : memref<!tpu.dma_semaphore, #tpu.memory_space<semaphore_mem>>)
      tpu.wait_dma2 semaphore(%run_scoped3A : memref<!tpu.dma_semaphore, #tpu.memory_space<semaphore_mem>>) src(%arg4 : memref<16xf32, #tpu.memory_space<hbm>>) dst(%arg9 : memref<16xf32, #tpu.memory_space<vmem>>)
      tpu.yield
    }) : () -> ()
    %get3A = arith.constant 0 : index
    %get3A_15 = tpu.vector_load %arg9[%get3A] {strides = array<i32>} : memref<16xf32, #tpu.memory_space<vmem>>, vector<16xf32>,
    %get3A_16 = vector.shape_cast %get3A_15 : vector<16xf32> to vector<16xf32>
    %exp3A = math.exp %get3A_16 : vector<16xf32>
    %mul3A_17 = arith.mulf %exp3A, %exp3A : vector<16xf32>
    %div3A = arith.constant -5.000000e-01 : f32
    %div3A_18 = vector.broadcast %div3A : f32 to vector<16xf32>
    %div3A_19 = arith.divf %div3A_18, %mul3A_17 : vector<16xf32>
    %add3A_20 = arith.constant 0.918938517 : f32
    %add3A_21 = vector.broadcast %add3A_20 : f32 to vector<16xf32>
    %add3A_22 = arith.addf %get3A_16, %add3A_21 : vector<16xf32>
    %neg3A = arith.constant 0.000000e+00 : f32
    %neg3A_23 = vector.broadcast %neg3A : f32 to vector<16xf32>
    %neg3A_24 = arith.subf %neg3A_23, %add3A_22 : vector<16xf32>
    %parallel_loop3A = arith.constant 0 : i32
    %parallel_loop3A_25 = arith.constant 256 : i32
    %parallel_loop3A_26 = arith.constant 1 : i32
    scf.for %parallel_loop3A_58 = %parallel_loop3A to %parallel_loop3A_25 step %parallel_loop3A_26  : i32 {
      %parallel_loop3A_59 = arith.constant 16 : i32
      %parallel_loop3A_60 = arith.muli %parallel_loop3A_58, %parallel_loop3A_59 : i32
      %parallel_loop3A_61 = arith.index_cast %parallel_loop3A_60 : i32 to index
      %parallel_loop3A_62 = tpu.vector_load %arg7[%parallel_loop3A_61] {strides = array<i32>} : memref<4096xf32, #tpu.memory_space<vmem>>, vector<16xf32>,
      %parallel_loop3A_63 = vector.shape_cast %parallel_loop3A_62 : vector<16xf32> to vector<16xf32>
      %parallel_loop3A_64 = arith.constant 1.000000e+00 : f32
      %parallel_loop3A_65 = vector.broadcast %parallel_loop3A_64 : f32 to vector<16xf32>
      %parallel_loop3A_66 = arith.addf %parallel_loop3A_63, %parallel_loop3A_65 : vector<16xf32>
      %parallel_loop3A_67 = arith.index_cast %parallel_loop3A_60 : i32 to index
      %parallel_loop3A_68 = tpu.vector_load %arg7[%parallel_loop3A_67] {strides = array<i32>} : memref<4096xf32, #tpu.memory_space<vmem>>, vector<16xf32>,
      %parallel_loop3A_69 = vector.shape_cast %parallel_loop3A_68 : vector<16xf32> to vector<16xf32>
      %parallel_loop3A_70 = vector.shape_cast %parallel_loop3A_66 : vector<16xf32> to vector<16xf32>
      tpu.vector_store %arg7[%parallel_loop3A_67], %parallel_loop3A_70 {strides = array<i32>} : memref<4096xf32, #tpu.memory_space<vmem>>, vector<16xf32>,
      %parallel_loop3A_71 = arith.index_cast %parallel_loop3A_60 : i32 to index
      %parallel_loop3A_72 = tpu.vector_load %arg8[%parallel_loop3A_71] {strides = array<i32>} : memref<4096xf32, #tpu.memory_space<vmem>>, vector<16xf32>,
      %parallel_loop3A_73 = vector.shape_cast %parallel_loop3A_72 : vector<16xf32> to vector<16xf32>
      %parallel_loop3A_74 = arith.constant 1.000000e+00 : f32
      %parallel_loop3A_75 = vector.broadcast %parallel_loop3A_74 : f32 to vector<16xf32>
      %parallel_loop3A_76 = arith.divf %parallel_loop3A_75, %parallel_loop3A_73 : vector<16xf32>
      %parallel_loop3A_77 = arith.index_cast %parallel_loop3A_60 : i32 to index
      %parallel_loop3A_78 = tpu.vector_load %arg8[%parallel_loop3A_77] {strides = array<i32>} : memref<4096xf32, #tpu.memory_space<vmem>>, vector<16xf32>,
      %parallel_loop3A_79 = vector.shape_cast %parallel_loop3A_78 : vector<16xf32> to vector<16xf32>
      %parallel_loop3A_80 = vector.shape_cast %parallel_loop3A_76 : vector<16xf32> to vector<16xf32>
      tpu.vector_store %arg8[%parallel_loop3A_77], %parallel_loop3A_80 {strides = array<i32>} : memref<4096xf32, #tpu.memory_space<vmem>>, vector<16xf32>,
    } {sc.loop_unroll_factor = 4 : i64, sc.parallel_access}
    %scan3A = arith.constant 0 : i32
    %scan3A_27 = arith.constant 0 : i32
    %scan3A_28 = arith.constant 8 : i32
    %scan3A_29 = arith.addi %scan3A_27, %scan3A_28 : i32
    %scan3A_30 = arith.constant 1 : i32
    %scan3A_31 = scf.for %scan3A_58 = %scan3A_27 to %scan3A_29 step %scan3A_30 iter_args(%scan3A_59 = %scan3A) -> (i32)  : i32 {
      %mul3A_60 = arith.constant 2 : i32
      %mul3A_61 = arith.muli %scan3A_58, %mul3A_60 : i32
      %add3A_62 = arith.constant 1 : i32
      %add3A_63 = arith.addi %mul3A_61, %add3A_62 : i32
      %mul3A_64 = arith.constant 4 : i32
      %mul3A_65 = arith.muli %add3A_63, %mul3A_64 : i32
      %dma_start3A_66 = arith.constant 1 : i32
      %dma_start3A_67 = arith.constant 0 : i32
      %dma_start3A_68 = arith.constant 0 : i32
      %dma_start3A_69 = tpu.memref_slice %arg10[%dma_start3A_66, %dma_start3A_67, %dma_start3A_68] : memref<2x4x4096xi32, #tpu.memory_space<vmem>> -> memref<1x4x4096xi32, #tpu.memory_space<vmem>>
      %dma_start3A_70 = tpu.memref_squeeze %dma_start3A_69 : memref<1x4x4096xi32, #tpu.memory_space<vmem>> -> memref<4x4096xi32, #tpu.memory_space<vmem>>
      %dma_start3A_71 = tpu.memref_slice %arg5[%mul3A_65, %mul3A_2] : memref<64x131072xi32, #tpu.memory_space<hbm>> -> memref<4x4096xi32, #tpu.memory_space<hbm>>
      %dma_start3A_72 = arith.constant 0 : i32
      %dma_start3A_73 = arith.constant 0 : i32
      %dma_start3A_74 = tpu.memref_slice %arg10[%dma_start3A_66, %dma_start3A_72, %dma_start3A_73] : memref<2x4x4096xi32, #tpu.memory_space<vmem>> -> memref<1x4x4096xi32, #tpu.memory_space<vmem>>
      %dma_start3A_75 = tpu.memref_squeeze %dma_start3A_74 : memref<1x4x4096xi32, #tpu.memory_space<vmem>> -> memref<4x4096xi32, #tpu.memory_space<vmem>>
      %dma_start3A_76 = tpu.memref_slice %arg5[%mul3A_65, %mul3A_2] : memref<64x131072xi32, #tpu.memory_space<hbm>> -> memref<4x4096xi32, #tpu.memory_space<hbm>>
      tpu.enqueue_dma source(%dma_start3A_76 : memref<4x4096xi32, #tpu.memory_space<hbm>>) target(%dma_start3A_75 : memref<4x4096xi32, #tpu.memory_space<vmem>>) target_semaphore(%arg13 : memref<!tpu.dma_semaphore, #tpu.memory_space<semaphore_mem>>)
      %dma_wait3A_77 = arith.constant 0 : i32
      %dma_wait3A_78 = arith.constant 0 : i32
      %dma_wait3A_79 = arith.constant 0 : i32
      %dma_wait3A_80 = tpu.memref_slice %arg10[%dma_wait3A_77, %dma_wait3A_78, %dma_wait3A_79] : memref<2x4x4096xi32, #tpu.memory_space<vmem>> -> memref<1x4x4096xi32, #tpu.memory_space<vmem>>
      %dma_wait3A_81 = tpu.memref_squeeze %dma_wait3A_80 : memref<1x4x4096xi32, #tpu.memory_space<vmem>> -> memref<4x4096xi32, #tpu.memory_space<vmem>>
      %dma_wait3A_82 = arith.constant 0 : i32
      %dma_wait3A_83 = tpu.memref_slice %arg5[%dma_wait3A_82, %mul3A_2] : memref<64x131072xi32, #tpu.memory_space<hbm>> -> memref<4x4096xi32, #tpu.memory_space<hbm>>
      %dma_wait3A_84 = arith.constant 0 : i32
      %dma_wait3A_85 = arith.constant 0 : i32
      %dma_wait3A_86 = tpu.memref_slice %arg10[%dma_wait3A_77, %dma_wait3A_84, %dma_wait3A_85] : memref<2x4x4096xi32, #tpu.memory_space<vmem>> -> memref<1x4x4096xi32, #tpu.memory_space<vmem>>
      %dma_wait3A_87 = tpu.memref_squeeze %dma_wait3A_86 : memref<1x4x4096xi32, #tpu.memory_space<vmem>> -> memref<4x4096xi32, #tpu.memory_space<vmem>>
      %dma_wait3A_88 = arith.constant 0 : i32
      %dma_wait3A_89 = tpu.memref_slice %arg5[%dma_wait3A_88, %mul3A_2] : memref<64x131072xi32, #tpu.memory_space<hbm>> -> memref<4x4096xi32, #tpu.memory_space<hbm>>
      tpu.wait_dma2 semaphore(%arg12 : memref<!tpu.dma_semaphore, #tpu.memory_space<semaphore_mem>>) src(%dma_wait3A_89 : memref<4x4096xi32, #tpu.memory_space<hbm>>) dst(%dma_wait3A_87 : memref<4x4096xi32, #tpu.memory_space<vmem>>)
      %gt3A = arith.constant 0 : i32
      %gt3A_90 = arith.cmpi sgt, %scan3A_58, %gt3A : i32
      %convert_element_type3A = arith.extui %gt3A_90 : i1 to i32
      %cond3A = arith.constant 0 : i32
      %cond3A_91 = arith.cmpi ne, %convert_element_type3A, %cond3A : i32
      scf.if %cond3A_91 {
        %dma_wait3A_151 = arith.constant 0 : i32
        %dma_wait3A_152 = arith.constant 0 : i32
        %dma_wait3A_153 = arith.constant 0 : i32
        %dma_wait3A_154 = tpu.memref_slice %arg11[%dma_wait3A_151, %dma_wait3A_152, %dma_wait3A_153] : memref<2x4x4096xf32, #tpu.memory_space<vmem>> -> memref<1x4x4096xf32, #tpu.memory_space<vmem>>
        %dma_wait3A_155 = tpu.memref_squeeze %dma_wait3A_154 : memref<1x4x4096xf32, #tpu.memory_space<vmem>> -> memref<4x4096xf32, #tpu.memory_space<vmem>>
        %dma_wait3A_156 = arith.constant 0 : i32
        %dma_wait3A_157 = tpu.memref_slice %arg6[%dma_wait3A_156, %mul3A_2] : memref<64x131072xf32, #tpu.memory_space<hbm>> -> memref<4x4096xf32, #tpu.memory_space<hbm>>
        %dma_wait3A_158 = arith.constant 0 : i32
        %dma_wait3A_159 = tpu.memref_slice %arg6[%dma_wait3A_158, %mul3A_2] : memref<64x131072xf32, #tpu.memory_space<hbm>> -> memref<4x4096xf32, #tpu.memory_space<hbm>>
        %dma_wait3A_160 = arith.constant 0 : i32
        %dma_wait3A_161 = arith.constant 0 : i32
        %dma_wait3A_162 = tpu.memref_slice %arg11[%dma_wait3A_151, %dma_wait3A_160, %dma_wait3A_161] : memref<2x4x4096xf32, #tpu.memory_space<vmem>> -> memref<1x4x4096xf32, #tpu.memory_space<vmem>>
        %dma_wait3A_163 = tpu.memref_squeeze %dma_wait3A_162 : memref<1x4x4096xf32, #tpu.memory_space<vmem>> -> memref<4x4096xf32, #tpu.memory_space<vmem>>
        tpu.wait_dma2 semaphore(%arg14 : memref<!tpu.dma_semaphore, #tpu.memory_space<semaphore_mem>>) src(%dma_wait3A_163 : memref<4x4096xf32, #tpu.memory_space<vmem>>) dst(%dma_wait3A_159 : memref<4x4096xf32, #tpu.memory_space<hbm>>)
      } else {
      }
      %parallel_loop3A_92 = arith.constant 0 : i32
      %parallel_loop3A_93 = arith.constant 256 : i32
      %parallel_loop3A_94 = arith.constant 1 : i32
      scf.for %parallel_loop3A_151 = %parallel_loop3A_92 to %parallel_loop3A_93 step %parallel_loop3A_94  : i32 {
        %parallel_loop3A_152 = arith.constant 16 : i32
        %parallel_loop3A_153 = arith.muli %parallel_loop3A_151, %parallel_loop3A_152 : i32
        %parallel_loop3A_154 = arith.index_cast %parallel_loop3A_153 : i32 to index
        %parallel_loop3A_155 = tpu.vector_load %arg7[%parallel_loop3A_154] {strides = array<i32>} : memref<4096xf32, #tpu.memory_space<vmem>>, vector<16xf32>,
        %parallel_loop3A_156 = vector.shape_cast %parallel_loop3A_155 : vector<16xf32> to vector<16xf32>
        %parallel_loop3A_157 = arith.index_cast %parallel_loop3A_153 : i32 to index
        %parallel_loop3A_158 = tpu.vector_load %arg8[%parallel_loop3A_157] {strides = array<i32>} : memref<4096xf32, #tpu.memory_space<vmem>>, vector<16xf32>,
        %parallel_loop3A_159 = vector.shape_cast %parallel_loop3A_158 : vector<16xf32> to vector<16xf32>
        %parallel_loop3A_160 = arith.constant 0 : i32
        %parallel_loop3A_161 = arith.constant 0 : i32
        %parallel_loop3A_162 = arith.index_cast %parallel_loop3A_160 : i32 to index
        %parallel_loop3A_163 = arith.index_cast %parallel_loop3A_161 : i32 to index
        %parallel_loop3A_164 = arith.index_cast %parallel_loop3A_153 : i32 to index
        %parallel_loop3A_165 = tpu.vector_load %arg10[%parallel_loop3A_162, %parallel_loop3A_163, %parallel_loop3A_164] {strides = array<i32>} : memref<2x4x4096xi32, #tpu.memory_space<vmem>>, vector<1x1x16xi32>,
        %parallel_loop3A_166 = vector.shape_cast %parallel_loop3A_165 : vector<1x1x16xi32> to vector<16xi32>
        %parallel_loop3A_167 = arith.sitofp %parallel_loop3A_166 : vector<16xi32> to vector<16xf32>
        %parallel_loop3A_168 = arith.constant 0.0317460336 : f32
        %parallel_loop3A_169 = vector.broadcast %parallel_loop3A_168 : f32 to vector<16xf32>
        %parallel_loop3A_170 = arith.mulf %parallel_loop3A_167, %parallel_loop3A_169 : vector<16xf32>
        %parallel_loop3A_171 = arith.subf %parallel_loop3A_170, %parallel_loop3A_156 : vector<16xf32>
        %parallel_loop3A_172 = arith.mulf %parallel_loop3A_171, %parallel_loop3A_171 : vector<16xf32>
        %parallel_loop3A_173 = arith.mulf %parallel_loop3A_172, %div3A_19 : vector<16xf32>
        %parallel_loop3A_174 = arith.addf %parallel_loop3A_173, %neg3A_24 : vector<16xf32>
        %parallel_loop3A_175 = math.exp %parallel_loop3A_174 : vector<16xf32>
        %parallel_loop3A_176 = math.exp %parallel_loop3A_175 : vector<16xf32>
        %parallel_loop3A_177 = arith.mulf %parallel_loop3A_176, %parallel_loop3A_159 : vector<16xf32>
        %parallel_loop3A_178 = arith.constant 0 : i32
        %parallel_loop3A_179 = arith.constant 0 : i32
        %parallel_loop3A_180 = arith.index_cast %parallel_loop3A_178 : i32 to index
        %parallel_loop3A_181 = arith.index_cast %parallel_loop3A_179 : i32 to index
        %parallel_loop3A_182 = arith.index_cast %parallel_loop3A_153 : i32 to index
        %parallel_loop3A_183 = tpu.vector_load %arg11[%parallel_loop3A_180, %parallel_loop3A_181, %parallel_loop3A_182] {strides = array<i32>} : memref<2x4x4096xf32, #tpu.memory_space<vmem>>, vector<1x1x16xf32>,
        %parallel_loop3A_184 = vector.shape_cast %parallel_loop3A_183 : vector<1x1x16xf32> to vector<16xf32>
        %parallel_loop3A_185 = vector.shape_cast %parallel_loop3A_177 : vector<16xf32> to vector<1x1x16xf32>
        tpu.vector_store %arg11[%parallel_loop3A_180, %parallel_loop3A_181, %parallel_loop3A_182], %parallel_loop3A_185 {strides = array<i32>} : memref<2x4x4096xf32, #tpu.memory_space<vmem>>, vector<1x1x16xf32>,
        %parallel_loop3A_186 = arith.constant 0 : i32
        %parallel_loop3A_187 = arith.constant 1 : i32
        %parallel_loop3A_188 = arith.index_cast %parallel_loop3A_186 : i32 to index
        %parallel_loop3A_189 = arith.index_cast %parallel_loop3A_187 : i32 to index
        %parallel_loop3A_190 = arith.index_cast %parallel_loop3A_153 : i32 to index
        %parallel_loop3A_191 = tpu.vector_load %arg10[%parallel_loop3A_188, %parallel_loop3A_189, %parallel_loop3A_190] {strides = array<i32>} : memref<2x4x4096xi32, #tpu.memory_space<vmem>>, vector<1x1x16xi32>,
        %parallel_loop3A_192 = vector.shape_cast %parallel_loop3A_191 : vector<1x1x16xi32> to vector<16xi32>
        %parallel_loop3A_193 = arith.sitofp %parallel_loop3A_192 : vector<16xi32> to vector<16xf32>
        %parallel_loop3A_194 = arith.constant 0.0317460336 : f32
        %parallel_loop3A_195 = vector.broadcast %parallel_loop3A_194 : f32 to vector<16xf32>
        %parallel_loop3A_196 = arith.mulf %parallel_loop3A_193, %parallel_loop3A_195 : vector<16xf32>
        %parallel_loop3A_197 = arith.subf %parallel_loop3A_196, %parallel_loop3A_156 : vector<16xf32>
        %parallel_loop3A_198 = arith.mulf %parallel_loop3A_197, %parallel_loop3A_197 : vector<16xf32>
        %parallel_loop3A_199 = arith.mulf %parallel_loop3A_198, %div3A_19 : vector<16xf32>
        %parallel_loop3A_200 = arith.addf %parallel_loop3A_199, %neg3A_24 : vector<16xf32>
        %parallel_loop3A_201 = math.exp %parallel_loop3A_200 : vector<16xf32>
        %parallel_loop3A_202 = math.exp %parallel_loop3A_201 : vector<16xf32>
        %parallel_loop3A_203 = arith.mulf %parallel_loop3A_202, %parallel_loop3A_159 : vector<16xf32>
        %parallel_loop3A_204 = arith.constant 0 : i32
        %parallel_loop3A_205 = arith.constant 1 : i32
        %parallel_loop3A_206 = arith.index_cast %parallel_loop3A_204 : i32 to index
        %parallel_loop3A_207 = arith.index_cast %parallel_loop3A_205 : i32 to index
        %parallel_loop3A_208 = arith.index_cast %parallel_loop3A_153 : i32 to index
        %parallel_loop3A_209 = tpu.vector_load %arg11[%parallel_loop3A_206, %parallel_loop3A_207, %parallel_loop3A_208] {strides = array<i32>} : memref<2x4x4096xf32, #tpu.memory_space<vmem>>, vector<1x1x16xf32>,
        %parallel_loop3A_210 = vector.shape_cast %parallel_loop3A_209 : vector<1x1x16xf32> to vector<16xf32>
        %parallel_loop3A_211 = vector.shape_cast %parallel_loop3A_203 : vector<16xf32> to vector<1x1x16xf32>
        tpu.vector_store %arg11[%parallel_loop3A_206, %parallel_loop3A_207, %parallel_loop3A_208], %parallel_loop3A_211 {strides = array<i32>} : memref<2x4x4096xf32, #tpu.memory_space<vmem>>, vector<1x1x16xf32>,
        %parallel_loop3A_212 = arith.constant 0 : i32
        %parallel_loop3A_213 = arith.constant 2 : i32
        %parallel_loop3A_214 = arith.index_cast %parallel_loop3A_212 : i32 to index
        %parallel_loop3A_215 = arith.index_cast %parallel_loop3A_213 : i32 to index
        %parallel_loop3A_216 = arith.index_cast %parallel_loop3A_153 : i32 to index
        %parallel_loop3A_217 = tpu.vector_load %arg10[%parallel_loop3A_214, %parallel_loop3A_215, %parallel_loop3A_216] {strides = array<i32>} : memref<2x4x4096xi32, #tpu.memory_space<vmem>>, vector<1x1x16xi32>,
        %parallel_loop3A_218 = vector.shape_cast %parallel_loop3A_217 : vector<1x1x16xi32> to vector<16xi32>
        %parallel_loop3A_219 = arith.sitofp %parallel_loop3A_218 : vector<16xi32> to vector<16xf32>
        %parallel_loop3A_220 = arith.constant 0.0317460336 : f32
        %parallel_loop3A_221 = vector.broadcast %parallel_loop3A_220 : f32 to vector<16xf32>
        %parallel_loop3A_222 = arith.mulf %parallel_loop3A_219, %parallel_loop3A_221 : vector<16xf32>
        %parallel_loop3A_223 = arith.subf %parallel_loop3A_222, %parallel_loop3A_156 : vector<16xf32>
        %parallel_loop3A_224 = arith.mulf %parallel_loop3A_223, %parallel_loop3A_223 : vector<16xf32>
        %parallel_loop3A_225 = arith.mulf %parallel_loop3A_224, %div3A_19 : vector<16xf32>
        %parallel_loop3A_226 = arith.addf %parallel_loop3A_225, %neg3A_24 : vector<16xf32>
        %parallel_loop3A_227 = math.exp %parallel_loop3A_226 : vector<16xf32>
        %parallel_loop3A_228 = math.exp %parallel_loop3A_227 : vector<16xf32>
        %parallel_loop3A_229 = arith.mulf %parallel_loop3A_228, %parallel_loop3A_159 : vector<16xf32>
        %parallel_loop3A_230 = arith.constant 0 : i32
        %parallel_loop3A_231 = arith.constant 2 : i32
        %parallel_loop3A_232 = arith.index_cast %parallel_loop3A_230 : i32 to index
        %parallel_loop3A_233 = arith.index_cast %parallel_loop3A_231 : i32 to index
        %parallel_loop3A_234 = arith.index_cast %parallel_loop3A_153 : i32 to index
        %parallel_loop3A_235 = tpu.vector_load %arg11[%parallel_loop3A_232, %parallel_loop3A_233, %parallel_loop3A_234] {strides = array<i32>} : memref<2x4x4096xf32, #tpu.memory_space<vmem>>, vector<1x1x16xf32>,
        %parallel_loop3A_236 = vector.shape_cast %parallel_loop3A_235 : vector<1x1x16xf32> to vector<16xf32>
        %parallel_loop3A_237 = vector.shape_cast %parallel_loop3A_229 : vector<16xf32> to vector<1x1x16xf32>
        tpu.vector_store %arg11[%parallel_loop3A_232, %parallel_loop3A_233, %parallel_loop3A_234], %parallel_loop3A_237 {strides = array<i32>} : memref<2x4x4096xf32, #tpu.memory_space<vmem>>, vector<1x1x16xf32>,
        %parallel_loop3A_238 = arith.constant 0 : i32
        %parallel_loop3A_239 = arith.constant 3 : i32
        %parallel_loop3A_240 = arith.index_cast %parallel_loop3A_238 : i32 to index
        %parallel_loop3A_241 = arith.index_cast %parallel_loop3A_239 : i32 to index
        %parallel_loop3A_242 = arith.index_cast %parallel_loop3A_153 : i32 to index
        %parallel_loop3A_243 = tpu.vector_load %arg10[%parallel_loop3A_240, %parallel_loop3A_241, %parallel_loop3A_242] {strides = array<i32>} : memref<2x4x4096xi32, #tpu.memory_space<vmem>>, vector<1x1x16xi32>,
        %parallel_loop3A_244 = vector.shape_cast %parallel_loop3A_243 : vector<1x1x16xi32> to vector<16xi32>
        %parallel_loop3A_245 = arith.sitofp %parallel_loop3A_244 : vector<16xi32> to vector<16xf32>
        %parallel_loop3A_246 = arith.constant 0.0317460336 : f32
        %parallel_loop3A_247 = vector.broadcast %parallel_loop3A_246 : f32 to vector<16xf32>
        %parallel_loop3A_248 = arith.mulf %parallel_loop3A_245, %parallel_loop3A_247 : vector<16xf32>
        %parallel_loop3A_249 = arith.subf %parallel_loop3A_248, %parallel_loop3A_156 : vector<16xf32>
        %parallel_loop3A_250 = arith.mulf %parallel_loop3A_249, %parallel_loop3A_249 : vector<16xf32>
        %parallel_loop3A_251 = arith.mulf %parallel_loop3A_250, %div3A_19 : vector<16xf32>
        %parallel_loop3A_252 = arith.addf %parallel_loop3A_251, %neg3A_24 : vector<16xf32>
        %parallel_loop3A_253 = math.exp %parallel_loop3A_252 : vector<16xf32>
        %parallel_loop3A_254 = math.exp %parallel_loop3A_253 : vector<16xf32>
        %parallel_loop3A_255 = arith.mulf %parallel_loop3A_254, %parallel_loop3A_159 : vector<16xf32>
        %parallel_loop3A_256 = arith.constant 0 : i32
        %parallel_loop3A_257 = arith.constant 3 : i32
        %parallel_loop3A_258 = arith.index_cast %parallel_loop3A_256 : i32 to index
        %parallel_loop3A_259 = arith.index_cast %parallel_loop3A_257 : i32 to index
        %parallel_loop3A_260 = arith.index_cast %parallel_loop3A_153 : i32 to index
        %parallel_loop3A_261 = tpu.vector_load %arg11[%parallel_loop3A_258, %parallel_loop3A_259, %parallel_loop3A_260] {strides = array<i32>} : memref<2x4x4096xf32, #tpu.memory_space<vmem>>, vector<1x1x16xf32>,
        %parallel_loop3A_262 = vector.shape_cast %parallel_loop3A_261 : vector<1x1x16xf32> to vector<16xf32>
        %parallel_loop3A_263 = vector.shape_cast %parallel_loop3A_255 : vector<16xf32> to vector<1x1x16xf32>
        tpu.vector_store %arg11[%parallel_loop3A_258, %parallel_loop3A_259, %parallel_loop3A_260], %parallel_loop3A_263 {strides = array<i32>} : memref<2x4x4096xf32, #tpu.memory_space<vmem>>, vector<1x1x16xf32>,
      } {sc.loop_unroll_factor = 2 : i64, sc.parallel_access}
      %mul3A_95 = arith.constant 4 : i32
      %mul3A_96 = arith.muli %mul3A_61, %mul3A_95 : i32
      %dma_start3A_97 = arith.constant 0 : i32
      %dma_start3A_98 = arith.constant 0 : i32
      %dma_start3A_99 = arith.constant 0 : i32
      %dma_start3A_100 = tpu.memref_slice %arg11[%dma_start3A_97, %dma_start3A_98, %dma_start3A_99] : memref<2x4x4096xf32, #tpu.memory_space<vmem>> -> memref<1x4x4096xf32, #tpu.memory_space<vmem>>
      %dma_start3A_101 = tpu.memref_squeeze %dma_start3A_100 : memref<1x4x4096xf32, #tpu.memory_space<vmem>> -> memref<4x4096xf32, #tpu.memory_space<vmem>>
      %dma_start3A_102 = tpu.memref_slice %arg6[%mul3A_96, %mul3A_2] : memref<64x131072xf32, #tpu.memory_space<hbm>> -> memref<4x4096xf32, #tpu.memory_space<hbm>>
      %dma_start3A_103 = tpu.memref_slice %arg6[%mul3A_96, %mul3A_2] : memref<64x131072xf32, #tpu.memory_space<hbm>> -> memref<4x4096xf32, #tpu.memory_space<hbm>>
      %dma_start3A_104 = arith.constant 0 : i32
      %dma_start3A_105 = arith.constant 0 : i32
      %dma_start3A_106 = tpu.memref_slice %arg11[%dma_start3A_97, %dma_start3A_104, %dma_start3A_105] : memref<2x4x4096xf32, #tpu.memory_space<vmem>> -> memref<1x4x4096xf32, #tpu.memory_space<vmem>>
      %dma_start3A_107 = tpu.memref_squeeze %dma_start3A_106 : memref<1x4x4096xf32, #tpu.memory_space<vmem>> -> memref<4x4096xf32, #tpu.memory_space<vmem>>
      tpu.enqueue_dma source(%dma_start3A_107 : memref<4x4096xf32, #tpu.memory_space<vmem>>) target(%dma_start3A_103 : memref<4x4096xf32, #tpu.memory_space<hbm>>) target_semaphore(%arg14 : memref<!tpu.dma_semaphore, #tpu.memory_space<semaphore_mem>>)
      %add3A_108 = arith.constant 2 : i32
      %add3A_109 = arith.addi %mul3A_61, %add3A_108 : i32
      %lt3A = arith.constant 16 : i32
      %lt3A_110 = arith.cmpi slt, %add3A_109, %lt3A : i32
      %convert_element_type3A_111 = arith.extui %lt3A_110 : i1 to i32
      %cond3A_112 = arith.constant 0 : i32
      %cond3A_113 = arith.cmpi ne, %convert_element_type3A_111, %cond3A_112 : i32
      scf.if %cond3A_113 {
        %add3A_151 = arith.constant 2 : i32
        %add3A_152 = arith.addi %mul3A_61, %add3A_151 : i32
        %mul3A_153 = arith.constant 4 : i32
        %mul3A_154 = arith.muli %add3A_152, %mul3A_153 : i32
        %dma_start3A_155 = arith.constant 0 : i32
        %dma_start3A_156 = arith.constant 0 : i32
        %dma_start3A_157 = arith.constant 0 : i32
        %dma_start3A_158 = tpu.memref_slice %arg10[%dma_start3A_155, %dma_start3A_156, %dma_start3A_157] : memref<2x4x4096xi32, #tpu.memory_space<vmem>> -> memref<1x4x4096xi32, #tpu.memory_space<vmem>>
        %dma_start3A_159 = tpu.memref_squeeze %dma_start3A_158 : memref<1x4x4096xi32, #tpu.memory_space<vmem>> -> memref<4x4096xi32, #tpu.memory_space<vmem>>
        %dma_start3A_160 = tpu.memref_slice %arg5[%mul3A_154, %mul3A_2] : memref<64x131072xi32, #tpu.memory_space<hbm>> -> memref<4x4096xi32, #tpu.memory_space<hbm>>
        %dma_start3A_161 = arith.constant 0 : i32
        %dma_start3A_162 = arith.constant 0 : i32
        %dma_start3A_163 = tpu.memref_slice %arg10[%dma_start3A_155, %dma_start3A_161, %dma_start3A_162] : memref<2x4x4096xi32, #tpu.memory_space<vmem>> -> memref<1x4x4096xi32, #tpu.memory_space<vmem>>
        %dma_start3A_164 = tpu.memref_squeeze %dma_start3A_163 : memref<1x4x4096xi32, #tpu.memory_space<vmem>> -> memref<4x4096xi32, #tpu.memory_space<vmem>>
        %dma_start3A_165 = tpu.memref_slice %arg5[%mul3A_154, %mul3A_2] : memref<64x131072xi32, #tpu.memory_space<hbm>> -> memref<4x4096xi32, #tpu.memory_space<hbm>>
        tpu.enqueue_dma source(%dma_start3A_165 : memref<4x4096xi32, #tpu.memory_space<hbm>>) target(%dma_start3A_164 : memref<4x4096xi32, #tpu.memory_space<vmem>>) target_semaphore(%arg12 : memref<!tpu.dma_semaphore, #tpu.memory_space<semaphore_mem>>)
      } else {
      }
      %dma_wait3A_114 = arith.constant 1 : i32
      %dma_wait3A_115 = arith.constant 0 : i32
      %dma_wait3A_116 = arith.constant 0 : i32
      %dma_wait3A_117 = tpu.memref_slice %arg10[%dma_wait3A_114, %dma_wait3A_115, %dma_wait3A_116] : memref<2x4x4096xi32, #tpu.memory_space<vmem>> -> memref<1x4x4096xi32, #tpu.memory_space<vmem>>
      %dma_wait3A_118 = tpu.memref_squeeze %dma_wait3A_117 : memref<1x4x4096xi32, #tpu.memory_space<vmem>> -> memref<4x4096xi32, #tpu.memory_space<vmem>>
      %dma_wait3A_119 = arith.constant 0 : i32
      %dma_wait3A_120 = tpu.memref_slice %arg5[%dma_wait3A_119, %mul3A_2] : memref<64x131072xi32, #tpu.memory_space<hbm>> -> memref<4x4096xi32, #tpu.memory_space<hbm>>
      %dma_wait3A_121 = arith.constant 0 : i32
      %dma_wait3A_122 = arith.constant 0 : i32
      %dma_wait3A_123 = tpu.memref_slice %arg10[%dma_wait3A_114, %dma_wait3A_121, %dma_wait3A_122] : memref<2x4x4096xi32, #tpu.memory_space<vmem>> -> memref<1x4x4096xi32, #tpu.memory_space<vmem>>
      %dma_wait3A_124 = tpu.memref_squeeze %dma_wait3A_123 : memref<1x4x4096xi32, #tpu.memory_space<vmem>> -> memref<4x4096xi32, #tpu.memory_space<vmem>>
      %dma_wait3A_125 = arith.constant 0 : i32
      %dma_wait3A_126 = tpu.memref_slice %arg5[%dma_wait3A_125, %mul3A_2] : memref<64x131072xi32, #tpu.memory_space<hbm>> -> memref<4x4096xi32, #tpu.memory_space<hbm>>
      tpu.wait_dma2 semaphore(%arg13 : memref<!tpu.dma_semaphore, #tpu.memory_space<semaphore_mem>>) src(%dma_wait3A_126 : memref<4x4096xi32, #tpu.memory_space<hbm>>) dst(%dma_wait3A_124 : memref<4x4096xi32, #tpu.memory_space<vmem>>)
      %gt3A_127 = arith.constant 0 : i32
      %gt3A_128 = arith.cmpi sgt, %scan3A_58, %gt3A_127 : i32
      %convert_element_type3A_129 = arith.extui %gt3A_128 : i1 to i32
      %cond3A_130 = arith.constant 0 : i32
      %cond3A_131 = arith.cmpi ne, %convert_element_type3A_129, %cond3A_130 : i32
      scf.if %cond3A_131 {
        %dma_wait3A_151 = arith.constant 1 : i32
        %dma_wait3A_152 = arith.constant 0 : i32
        %dma_wait3A_153 = arith.constant 0 : i32
        %dma_wait3A_154 = tpu.memref_slice %arg11[%dma_wait3A_151, %dma_wait3A_152, %dma_wait3A_153] : memref<2x4x4096xf32, #tpu.memory_space<vmem>> -> memref<1x4x4096xf32, #tpu.memory_space<vmem>>
        %dma_wait3A_155 = tpu.memref_squeeze %dma_wait3A_154 : memref<1x4x4096xf32, #tpu.memory_space<vmem>> -> memref<4x4096xf32, #tpu.memory_space<vmem>>
        %dma_wait3A_156 = arith.constant 0 : i32
        %dma_wait3A_157 = tpu.memref_slice %arg6[%dma_wait3A_156, %mul3A_2] : memref<64x131072xf32, #tpu.memory_space<hbm>> -> memref<4x4096xf32, #tpu.memory_space<hbm>>
        %dma_wait3A_158 = arith.constant 0 : i32
        %dma_wait3A_159 = tpu.memref_slice %arg6[%dma_wait3A_158, %mul3A_2] : memref<64x131072xf32, #tpu.memory_space<hbm>> -> memref<4x4096xf32, #tpu.memory_space<hbm>>
        %dma_wait3A_160 = arith.constant 0 : i32
        %dma_wait3A_161 = arith.constant 0 : i32
        %dma_wait3A_162 = tpu.memref_slice %arg11[%dma_wait3A_151, %dma_wait3A_160, %dma_wait3A_161] : memref<2x4x4096xf32, #tpu.memory_space<vmem>> -> memref<1x4x4096xf32, #tpu.memory_space<vmem>>
        %dma_wait3A_163 = tpu.memref_squeeze %dma_wait3A_162 : memref<1x4x4096xf32, #tpu.memory_space<vmem>> -> memref<4x4096xf32, #tpu.memory_space<vmem>>
        tpu.wait_dma2 semaphore(%arg15 : memref<!tpu.dma_semaphore, #tpu.memory_space<semaphore_mem>>) src(%dma_wait3A_163 : memref<4x4096xf32, #tpu.memory_space<vmem>>) dst(%dma_wait3A_159 : memref<4x4096xf32, #tpu.memory_space<hbm>>)
      } else {
      }
      %parallel_loop3A_132 = arith.constant 0 : i32
      %parallel_loop3A_133 = arith.constant 256 : i32
      %parallel_loop3A_134 = arith.constant 1 : i32
      scf.for %parallel_loop3A_151 = %parallel_loop3A_132 to %parallel_loop3A_133 step %parallel_loop3A_134  : i32 {
        %parallel_loop3A_152 = arith.constant 16 : i32
        %parallel_loop3A_153 = arith.muli %parallel_loop3A_151, %parallel_loop3A_152 : i32
        %parallel_loop3A_154 = arith.index_cast %parallel_loop3A_153 : i32 to index
        %parallel_loop3A_155 = tpu.vector_load %arg7[%parallel_loop3A_154] {strides = array<i32>} : memref<4096xf32, #tpu.memory_space<vmem>>, vector<16xf32>,
        %parallel_loop3A_156 = vector.shape_cast %parallel_loop3A_155 : vector<16xf32> to vector<16xf32>
        %parallel_loop3A_157 = arith.index_cast %parallel_loop3A_153 : i32 to index
        %parallel_loop3A_158 = tpu.vector_load %arg8[%parallel_loop3A_157] {strides = array<i32>} : memref<4096xf32, #tpu.memory_space<vmem>>, vector<16xf32>,
        %parallel_loop3A_159 = vector.shape_cast %parallel_loop3A_158 : vector<16xf32> to vector<16xf32>
        %parallel_loop3A_160 = arith.constant 1 : i32
        %parallel_loop3A_161 = arith.constant 0 : i32
        %parallel_loop3A_162 = arith.index_cast %parallel_loop3A_160 : i32 to index
        %parallel_loop3A_163 = arith.index_cast %parallel_loop3A_161 : i32 to index
        %parallel_loop3A_164 = arith.index_cast %parallel_loop3A_153 : i32 to index
        %parallel_loop3A_165 = tpu.vector_load %arg10[%parallel_loop3A_162, %parallel_loop3A_163, %parallel_loop3A_164] {strides = array<i32>} : memref<2x4x4096xi32, #tpu.memory_space<vmem>>, vector<1x1x16xi32>,
        %parallel_loop3A_166 = vector.shape_cast %parallel_loop3A_165 : vector<1x1x16xi32> to vector<16xi32>
        %parallel_loop3A_167 = arith.sitofp %parallel_loop3A_166 : vector<16xi32> to vector<16xf32>
        %parallel_loop3A_168 = arith.constant 0.0317460336 : f32
        %parallel_loop3A_169 = vector.broadcast %parallel_loop3A_168 : f32 to vector<16xf32>
        %parallel_loop3A_170 = arith.mulf %parallel_loop3A_167, %parallel_loop3A_169 : vector<16xf32>
        %parallel_loop3A_171 = arith.subf %parallel_loop3A_170, %parallel_loop3A_156 : vector<16xf32>
        %parallel_loop3A_172 = arith.mulf %parallel_loop3A_171, %parallel_loop3A_171 : vector<16xf32>
        %parallel_loop3A_173 = arith.mulf %parallel_loop3A_172, %div3A_19 : vector<16xf32>
        %parallel_loop3A_174 = arith.addf %parallel_loop3A_173, %neg3A_24 : vector<16xf32>
        %parallel_loop3A_175 = math.exp %parallel_loop3A_174 : vector<16xf32>
        %parallel_loop3A_176 = math.exp %parallel_loop3A_175 : vector<16xf32>
        %parallel_loop3A_177 = arith.mulf %parallel_loop3A_176, %parallel_loop3A_159 : vector<16xf32>
        %parallel_loop3A_178 = arith.constant 1 : i32
        %parallel_loop3A_179 = arith.constant 0 : i32
        %parallel_loop3A_180 = arith.index_cast %parallel_loop3A_178 : i32 to index
        %parallel_loop3A_181 = arith.index_cast %parallel_loop3A_179 : i32 to index
        %parallel_loop3A_182 = arith.index_cast %parallel_loop3A_153 : i32 to index
        %parallel_loop3A_183 = tpu.vector_load %arg11[%parallel_loop3A_180, %parallel_loop3A_181, %parallel_loop3A_182] {strides = array<i32>} : memref<2x4x4096xf32, #tpu.memory_space<vmem>>, vector<1x1x16xf32>,
        %parallel_loop3A_184 = vector.shape_cast %parallel_loop3A_183 : vector<1x1x16xf32> to vector<16xf32>
        %parallel_loop3A_185 = vector.shape_cast %parallel_loop3A_177 : vector<16xf32> to vector<1x1x16xf32>
        tpu.vector_store %arg11[%parallel_loop3A_180, %parallel_loop3A_181, %parallel_loop3A_182], %parallel_loop3A_185 {strides = array<i32>} : memref<2x4x4096xf32, #tpu.memory_space<vmem>>, vector<1x1x16xf32>,
        %parallel_loop3A_186 = arith.constant 1 : i32
        %parallel_loop3A_187 = arith.constant 1 : i32
        %parallel_loop3A_188 = arith.index_cast %parallel_loop3A_186 : i32 to index
        %parallel_loop3A_189 = arith.index_cast %parallel_loop3A_187 : i32 to index
        %parallel_loop3A_190 = arith.index_cast %parallel_loop3A_153 : i32 to index
        %parallel_loop3A_191 = tpu.vector_load %arg10[%parallel_loop3A_188, %parallel_loop3A_189, %parallel_loop3A_190] {strides = array<i32>} : memref<2x4x4096xi32, #tpu.memory_space<vmem>>, vector<1x1x16xi32>,
        %parallel_loop3A_192 = vector.shape_cast %parallel_loop3A_191 : vector<1x1x16xi32> to vector<16xi32>
        %parallel_loop3A_193 = arith.sitofp %parallel_loop3A_192 : vector<16xi32> to vector<16xf32>
        %parallel_loop3A_194 = arith.constant 0.0317460336 : f32
        %parallel_loop3A_195 = vector.broadcast %parallel_loop3A_194 : f32 to vector<16xf32>
        %parallel_loop3A_196 = arith.mulf %parallel_loop3A_193, %parallel_loop3A_195 : vector<16xf32>
        %parallel_loop3A_197 = arith.subf %parallel_loop3A_196, %parallel_loop3A_156 : vector<16xf32>
        %parallel_loop3A_198 = arith.mulf %parallel_loop3A_197, %parallel_loop3A_197 : vector<16xf32>
        %parallel_loop3A_199 = arith.mulf %parallel_loop3A_198, %div3A_19 : vector<16xf32>
        %parallel_loop3A_200 = arith.addf %parallel_loop3A_199, %neg3A_24 : vector<16xf32>
        %parallel_loop3A_201 = math.exp %parallel_loop3A_200 : vector<16xf32>
        %parallel_loop3A_202 = math.exp %parallel_loop3A_201 : vector<16xf32>
        %parallel_loop3A_203 = arith.mulf %parallel_loop3A_202, %parallel_loop3A_159 : vector<16xf32>
        %parallel_loop3A_204 = arith.constant 1 : i32
        %parallel_loop3A_205 = arith.constant 1 : i32
        %parallel_loop3A_206 = arith.index_cast %parallel_loop3A_204 : i32 to index
        %parallel_loop3A_207 = arith.index_cast %parallel_loop3A_205 : i32 to index
        %parallel_loop3A_208 = arith.index_cast %parallel_loop3A_153 : i32 to index
        %parallel_loop3A_209 = tpu.vector_load %arg11[%parallel_loop3A_206, %parallel_loop3A_207, %parallel_loop3A_208] {strides = array<i32>} : memref<2x4x4096xf32, #tpu.memory_space<vmem>>, vector<1x1x16xf32>,
        %parallel_loop3A_210 = vector.shape_cast %parallel_loop3A_209 : vector<1x1x16xf32> to vector<16xf32>
        %parallel_loop3A_211 = vector.shape_cast %parallel_loop3A_203 : vector<16xf32> to vector<1x1x16xf32>
        tpu.vector_store %arg11[%parallel_loop3A_206, %parallel_loop3A_207, %parallel_loop3A_208], %parallel_loop3A_211 {strides = array<i32>} : memref<2x4x4096xf32, #tpu.memory_space<vmem>>, vector<1x1x16xf32>,
        %parallel_loop3A_212 = arith.constant 1 : i32
        %parallel_loop3A_213 = arith.constant 2 : i32
        %parallel_loop3A_214 = arith.index_cast %parallel_loop3A_212 : i32 to index
        %parallel_loop3A_215 = arith.index_cast %parallel_loop3A_213 : i32 to index
        %parallel_loop3A_216 = arith.index_cast %parallel_loop3A_153 : i32 to index
        %parallel_loop3A_217 = tpu.vector_load %arg10[%parallel_loop3A_214, %parallel_loop3A_215, %parallel_loop3A_216] {strides = array<i32>} : memref<2x4x4096xi32, #tpu.memory_space<vmem>>, vector<1x1x16xi32>,
        %parallel_loop3A_218 = vector.shape_cast %parallel_loop3A_217 : vector<1x1x16xi32> to vector<16xi32>
        %parallel_loop3A_219 = arith.sitofp %parallel_loop3A_218 : vector<16xi32> to vector<16xf32>
        %parallel_loop3A_220 = arith.constant 0.0317460336 : f32
        %parallel_loop3A_221 = vector.broadcast %parallel_loop3A_220 : f32 to vector<16xf32>
        %parallel_loop3A_222 = arith.mulf %parallel_loop3A_219, %parallel_loop3A_221 : vector<16xf32>
        %parallel_loop3A_223 = arith.subf %parallel_loop3A_222, %parallel_loop3A_156 : vector<16xf32>
        %parallel_loop3A_224 = arith.mulf %parallel_loop3A_223, %parallel_loop3A_223 : vector<16xf32>
        %parallel_loop3A_225 = arith.mulf %parallel_loop3A_224, %div3A_19 : vector<16xf32>
        %parallel_loop3A_226 = arith.addf %parallel_loop3A_225, %neg3A_24 : vector<16xf32>
        %parallel_loop3A_227 = math.exp %parallel_loop3A_226 : vector<16xf32>
        %parallel_loop3A_228 = math.exp %parallel_loop3A_227 : vector<16xf32>
        %parallel_loop3A_229 = arith.mulf %parallel_loop3A_228, %parallel_loop3A_159 : vector<16xf32>
        %parallel_loop3A_230 = arith.constant 1 : i32
        %parallel_loop3A_231 = arith.constant 2 : i32
        %parallel_loop3A_232 = arith.index_cast %parallel_loop3A_230 : i32 to index
        %parallel_loop3A_233 = arith.index_cast %parallel_loop3A_231 : i32 to index
        %parallel_loop3A_234 = arith.index_cast %parallel_loop3A_153 : i32 to index
        %parallel_loop3A_235 = tpu.vector_load %arg11[%parallel_loop3A_232, %parallel_loop3A_233, %parallel_loop3A_234] {strides = array<i32>} : memref<2x4x4096xf32, #tpu.memory_space<vmem>>, vector<1x1x16xf32>,
        %parallel_loop3A_236 = vector.shape_cast %parallel_loop3A_235 : vector<1x1x16xf32> to vector<16xf32>
        %parallel_loop3A_237 = vector.shape_cast %parallel_loop3A_229 : vector<16xf32> to vector<1x1x16xf32>
        tpu.vector_store %arg11[%parallel_loop3A_232, %parallel_loop3A_233, %parallel_loop3A_234], %parallel_loop3A_237 {strides = array<i32>} : memref<2x4x4096xf32, #tpu.memory_space<vmem>>, vector<1x1x16xf32>,
        %parallel_loop3A_238 = arith.constant 1 : i32
        %parallel_loop3A_239 = arith.constant 3 : i32
        %parallel_loop3A_240 = arith.index_cast %parallel_loop3A_238 : i32 to index
        %parallel_loop3A_241 = arith.index_cast %parallel_loop3A_239 : i32 to index
        %parallel_loop3A_242 = arith.index_cast %parallel_loop3A_153 : i32 to index
        %parallel_loop3A_243 = tpu.vector_load %arg10[%parallel_loop3A_240, %parallel_loop3A_241, %parallel_loop3A_242] {strides = array<i32>} : memref<2x4x4096xi32, #tpu.memory_space<vmem>>, vector<1x1x16xi32>,
        %parallel_loop3A_244 = vector.shape_cast %parallel_loop3A_243 : vector<1x1x16xi32> to vector<16xi32>
        %parallel_loop3A_245 = arith.sitofp %parallel_loop3A_244 : vector<16xi32> to vector<16xf32>
        %parallel_loop3A_246 = arith.constant 0.0317460336 : f32
        %parallel_loop3A_247 = vector.broadcast %parallel_loop3A_246 : f32 to vector<16xf32>
        %parallel_loop3A_248 = arith.mulf %parallel_loop3A_245, %parallel_loop3A_247 : vector<16xf32>
        %parallel_loop3A_249 = arith.subf %parallel_loop3A_248, %parallel_loop3A_156 : vector<16xf32>
        %parallel_loop3A_250 = arith.mulf %parallel_loop3A_249, %parallel_loop3A_249 : vector<16xf32>
        %parallel_loop3A_251 = arith.mulf %parallel_loop3A_250, %div3A_19 : vector<16xf32>
        %parallel_loop3A_252 = arith.addf %parallel_loop3A_251, %neg3A_24 : vector<16xf32>
        %parallel_loop3A_253 = math.exp %parallel_loop3A_252 : vector<16xf32>
        %parallel_loop3A_254 = math.exp %parallel_loop3A_253 : vector<16xf32>
        %parallel_loop3A_255 = arith.mulf %parallel_loop3A_254, %parallel_loop3A_159 : vector<16xf32>
        %parallel_loop3A_256 = arith.constant 1 : i32
        %parallel_loop3A_257 = arith.constant 3 : i32
        %parallel_loop3A_258 = arith.index_cast %parallel_loop3A_256 : i32 to index
        %parallel_loop3A_259 = arith.index_cast %parallel_loop3A_257 : i32 to index
        %parallel_loop3A_260 = arith.index_cast %parallel_loop3A_153 : i32 to index
        %parallel_loop3A_261 = tpu.vector_load %arg11[%parallel_loop3A_258, %parallel_loop3A_259, %parallel_loop3A_260] {strides = array<i32>} : memref<2x4x4096xf32, #tpu.memory_space<vmem>>, vector<1x1x16xf32>,
        %parallel_loop3A_262 = vector.shape_cast %parallel_loop3A_261 : vector<1x1x16xf32> to vector<16xf32>
        %parallel_loop3A_263 = vector.shape_cast %parallel_loop3A_255 : vector<16xf32> to vector<1x1x16xf32>
        tpu.vector_store %arg11[%parallel_loop3A_258, %parallel_loop3A_259, %parallel_loop3A_260], %parallel_loop3A_263 {strides = array<i32>} : memref<2x4x4096xf32, #tpu.memory_space<vmem>>, vector<1x1x16xf32>,
      } {sc.loop_unroll_factor = 2 : i64, sc.parallel_access}
      %add3A_135 = arith.constant 1 : i32
      %add3A_136 = arith.addi %mul3A_61, %add3A_135 : i32
      %mul3A_137 = arith.constant 4 : i32
      %mul3A_138 = arith.muli %add3A_136, %mul3A_137 : i32
      %dma_start3A_139 = arith.constant 1 : i32
      %dma_start3A_140 = arith.constant 0 : i32
      %dma_start3A_141 = arith.constant 0 : i32
      %dma_start3A_142 = tpu.memref_slice %arg11[%dma_start3A_139, %dma_start3A_140, %dma_start3A_141] : memref<2x4x4096xf32, #tpu.memory_space<vmem>> -> memref<1x4x4096xf32, #tpu.memory_space<vmem>>
      %dma_start3A_143 = tpu.memref_squeeze %dma_start3A_142 : memref<1x4x4096xf32, #tpu.memory_space<vmem>> -> memref<4x4096xf32, #tpu.memory_space<vmem>>
      %dma_start3A_144 = tpu.memref_slice %arg6[%mul3A_138, %mul3A_2] : memref<64x131072xf32, #tpu.memory_space<hbm>> -> memref<4x4096xf32, #tpu.memory_space<hbm>>
      %dma_start3A_145 = tpu.memref_slice %arg6[%mul3A_138, %mul3A_2] : memref<64x131072xf32, #tpu.memory_space<hbm>> -> memref<4x4096xf32, #tpu.memory_space<hbm>>
      %dma_start3A_146 = arith.constant 0 : i32
      %dma_start3A_147 = arith.constant 0 : i32
      %dma_start3A_148 = tpu.memref_slice %arg11[%dma_start3A_139, %dma_start3A_146, %dma_start3A_147] : memref<2x4x4096xf32, #tpu.memory_space<vmem>> -> memref<1x4x4096xf32, #tpu.memory_space<vmem>>
      %dma_start3A_149 = tpu.memref_squeeze %dma_start3A_148 : memref<1x4x4096xf32, #tpu.memory_space<vmem>> -> memref<4x4096xf32, #tpu.memory_space<vmem>>
      tpu.enqueue_dma source(%dma_start3A_149 : memref<4x4096xf32, #tpu.memory_space<vmem>>) target(%dma_start3A_145 : memref<4x4096xf32, #tpu.memory_space<hbm>>) target_semaphore(%arg15 : memref<!tpu.dma_semaphore, #tpu.memory_space<semaphore_mem>>)
      %scan3A_150 = arith.constant 0 : i32
      scf.yield %scan3A_150 : i32
    }
    %scan3A_32 = arith.constant 8 : i32
    %dma_wait3A = arith.constant 0 : i32
    %dma_wait3A_33 = arith.constant 0 : i32
    %dma_wait3A_34 = arith.constant 0 : i32
    %dma_wait3A_35 = tpu.memref_slice %arg11[%dma_wait3A, %dma_wait3A_33, %dma_wait3A_34] : memref<2x4x4096xf32, #tpu.memory_space<vmem>> -> memref<1x4x4096xf32, #tpu.memory_space<vmem>>
    %dma_wait3A_36 = tpu.memref_squeeze %dma_wait3A_35 : memref<1x4x4096xf32, #tpu.memory_space<vmem>> -> memref<4x4096xf32, #tpu.memory_space<vmem>>
    %dma_wait3A_37 = arith.constant 0 : i32
    %dma_wait3A_38 = tpu.memref_slice %arg6[%dma_wait3A_37, %mul3A_2] : memref<64x131072xf32, #tpu.memory_space<hbm>> -> memref<4x4096xf32, #tpu.memory_space<hbm>>
    %dma_wait3A_39 = arith.constant 0 : i32
    %dma_wait3A_40 = tpu.memref_slice %arg6[%dma_wait3A_39, %mul3A_2] : memref<64x131072xf32, #tpu.memory_space<hbm>> -> memref<4x4096xf32, #tpu.memory_space<hbm>>
    %dma_wait3A_41 = arith.constant 0 : i32
    %dma_wait3A_42 = arith.constant 0 : i32
    %dma_wait3A_43 = tpu.memref_slice %arg11[%dma_wait3A, %dma_wait3A_41, %dma_wait3A_42] : memref<2x4x4096xf32, #tpu.memory_space<vmem>> -> memref<1x4x4096xf32, #tpu.memory_space<vmem>>
    %dma_wait3A_44 = tpu.memref_squeeze %dma_wait3A_43 : memref<1x4x4096xf32, #tpu.memory_space<vmem>> -> memref<4x4096xf32, #tpu.memory_space<vmem>>
    tpu.wait_dma2 semaphore(%arg14 : memref<!tpu.dma_semaphore, #tpu.memory_space<semaphore_mem>>) src(%dma_wait3A_44 : memref<4x4096xf32, #tpu.memory_space<vmem>>) dst(%dma_wait3A_40 : memref<4x4096xf32, #tpu.memory_space<hbm>>)
    %dma_wait3A_45 = arith.constant 1 : i32
    %dma_wait3A_46 = arith.constant 0 : i32
    %dma_wait3A_47 = arith.constant 0 : i32
    %dma_wait3A_48 = tpu.memref_slice %arg11[%dma_wait3A_45, %dma_wait3A_46, %dma_wait3A_47] : memref<2x4x4096xf32, #tpu.memory_space<vmem>> -> memref<1x4x4096xf32, #tpu.memory_space<vmem>>
    %dma_wait3A_49 = tpu.memref_squeeze %dma_wait3A_48 : memref<1x4x4096xf32, #tpu.memory_space<vmem>> -> memref<4x4096xf32, #tpu.memory_space<vmem>>
    %dma_wait3A_50 = arith.constant 0 : i32
    %dma_wait3A_51 = tpu.memref_slice %arg6[%dma_wait3A_50, %mul3A_2] : memref<64x131072xf32, #tpu.memory_space<hbm>> -> memref<4x4096xf32, #tpu.memory_space<hbm>>
    %dma_wait3A_52 = arith.constant 0 : i32
    %dma_wait3A_53 = tpu.memref_slice %arg6[%dma_wait3A_52, %mul3A_2] : memref<64x131072xf32, #tpu.memory_space<hbm>> -> memref<4x4096xf32, #tpu.memory_space<hbm>>
    %dma_wait3A_54 = arith.constant 0 : i32
    %dma_wait3A_55 = arith.constant 0 : i32
    %dma_wait3A_56 = tpu.memref_slice %arg11[%dma_wait3A_45, %dma_wait3A_54, %dma_wait3A_55] : memref<2x4x4096xf32, #tpu.memory_space<vmem>> -> memref<1x4x4096xf32, #tpu.memory_space<vmem>>
    %dma_wait3A_57 = tpu.memref_squeeze %dma_wait3A_56 : memref<1x4x4096xf32, #tpu.memory_space<vmem>> -> memref<4x4096xf32, #tpu.memory_space<vmem>>
    tpu.wait_dma2 semaphore(%arg15 : memref<!tpu.dma_semaphore, #tpu.memory_space<semaphore_mem>>) src(%dma_wait3A_57 : memref<4x4096xf32, #tpu.memory_space<vmem>>) dst(%dma_wait3A_53 : memref<4x4096xf32, #tpu.memory_space<hbm>>)
    return
  }
}

module attributes {stable_mosaic.version = 14 : i64} {
  func.func @_tc_body(%arg0: i32, %arg1: memref<256x8x128xf32, #tpu.memory_space<vmem>>, %arg2: memref<128x16xf32, #tpu.memory_space<vmem>>, %arg3: memref<1x128xf32, #tpu.memory_space<vmem>>, %arg4: memref<1x16xf32, #tpu.memory_space<smem>>, %arg5: memref<256x128xf32, #tpu.memory_space<vmem>>, %arg6: memref<256x128xf32, #tpu.memory_space<vmem>>, %arg7: memref<1x1xf32, #tpu.memory_space<smem>>) attributes {dimension_semantics = [#tpu.dimension_semantics<arbitrary>], iteration_bounds = array<i64: 4>, scalar_prefetch = 0 : i64, scratch_operands = 0 : i64, tpu.core_type = #tpu.core_type<tc>, window_params = [{transform_indices = @transform_0, window_bounds = array<i64: 256, 8, 128>}, {pipeline_mode = #tpu.pipeline_mode<synchronous>, transform_indices = @transform_1, window_bounds = array<i64: 128, 16>}, {pipeline_mode = #tpu.pipeline_mode<synchronous>, transform_indices = @transform_2, window_bounds = array<i64: 1, 128>}, {transform_indices = @transform_3, window_bounds = array<i64: 1, 16>}, {transform_indices = @transform_4, window_bounds = array<i64: 256, 128>}, {transform_indices = @transform_5, window_bounds = array<i64: 256, 128>}, {transform_indices = @transform_6, window_bounds = array<i64: 1, 1>}]} {
    %get3A = arith.constant 0 : index
    %get3A_0 = arith.constant 0 : index
    %get3A_1 = arith.constant 0 : index
    %get3A_2 = vector.load %arg1[%get3A, %get3A_0, %get3A_1] : memref<256x8x128xf32, #tpu.memory_space<vmem>>, vector<256x1x128xf32>
    %get3A_3 = vector.shape_cast %get3A_2 : vector<256x1x128xf32> to vector<256x128xf32>
    %get3A_4 = arith.constant 0 : index
    %get3A_5 = arith.constant 0 : index
    %get3A_6 = vector.load %arg2[%get3A_4, %get3A_5] : memref<128x16xf32, #tpu.memory_space<vmem>>, vector<128x16xf32>
    %dot_general3A = arith.constant dense<0.000000e+00> : vector<256x16xf32>
    %dot_general3A_7 = tpu.matmul %get3A_3, %get3A_6, %dot_general3A {dimension_numbers = #tpu.dot_dimension_numbers<[1], [0], [0], [1], [0, 0, 1, 1], [], []>, transpose_lhs_hint = false} : vector<256x128xf32>, vector<128x16xf32>, vector<256x16xf32> -> vector<256x16xf32>
    %get3A_8 = arith.constant 0 : index
    %get3A_9 = arith.constant 1 : index
    %get3A_10 = arith.constant 0 : index
    %get3A_11 = vector.load %arg1[%get3A_8, %get3A_9, %get3A_10] : memref<256x8x128xf32, #tpu.memory_space<vmem>>, vector<256x1x128xf32>
    %get3A_12 = vector.shape_cast %get3A_11 : vector<256x1x128xf32> to vector<256x128xf32>
    %get3A_13 = arith.constant 0 : index
    %get3A_14 = arith.constant 0 : index
    %get3A_15 = vector.load %arg2[%get3A_13, %get3A_14] : memref<128x16xf32, #tpu.memory_space<vmem>>, vector<128x16xf32>
    %dot_general3A_16 = arith.constant dense<0.000000e+00> : vector<256x16xf32>
    %dot_general3A_17 = tpu.matmul %get3A_12, %get3A_15, %dot_general3A_16 {dimension_numbers = #tpu.dot_dimension_numbers<[1], [0], [0], [1], [0, 0, 1, 1], [], []>, transpose_lhs_hint = false} : vector<256x128xf32>, vector<128x16xf32>, vector<256x16xf32> -> vector<256x16xf32>
    %get3A_18 = arith.constant 0 : index
    %get3A_19 = arith.constant 2 : index
    %get3A_20 = arith.constant 0 : index
    %get3A_21 = vector.load %arg1[%get3A_18, %get3A_19, %get3A_20] : memref<256x8x128xf32, #tpu.memory_space<vmem>>, vector<256x1x128xf32>
    %get3A_22 = vector.shape_cast %get3A_21 : vector<256x1x128xf32> to vector<256x128xf32>
    %get3A_23 = arith.constant 0 : index
    %get3A_24 = arith.constant 0 : index
    %get3A_25 = vector.load %arg2[%get3A_23, %get3A_24] : memref<128x16xf32, #tpu.memory_space<vmem>>, vector<128x16xf32>
    %dot_general3A_26 = arith.constant dense<0.000000e+00> : vector<256x16xf32>
    %dot_general3A_27 = tpu.matmul %get3A_22, %get3A_25, %dot_general3A_26 {dimension_numbers = #tpu.dot_dimension_numbers<[1], [0], [0], [1], [0, 0, 1, 1], [], []>, transpose_lhs_hint = false} : vector<256x128xf32>, vector<128x16xf32>, vector<256x16xf32> -> vector<256x16xf32>
    %get3A_28 = arith.constant 0 : index
    %get3A_29 = arith.constant 3 : index
    %get3A_30 = arith.constant 0 : index
    %get3A_31 = vector.load %arg1[%get3A_28, %get3A_29, %get3A_30] : memref<256x8x128xf32, #tpu.memory_space<vmem>>, vector<256x1x128xf32>
    %get3A_32 = vector.shape_cast %get3A_31 : vector<256x1x128xf32> to vector<256x128xf32>
    %get3A_33 = arith.constant 0 : index
    %get3A_34 = arith.constant 0 : index
    %get3A_35 = vector.load %arg2[%get3A_33, %get3A_34] : memref<128x16xf32, #tpu.memory_space<vmem>>, vector<128x16xf32>
    %dot_general3A_36 = arith.constant dense<0.000000e+00> : vector<256x16xf32>
    %dot_general3A_37 = tpu.matmul %get3A_32, %get3A_35, %dot_general3A_36 {dimension_numbers = #tpu.dot_dimension_numbers<[1], [0], [0], [1], [0, 0, 1, 1], [], []>, transpose_lhs_hint = false} : vector<256x128xf32>, vector<128x16xf32>, vector<256x16xf32> -> vector<256x16xf32>
    %get3A_38 = arith.constant 0 : index
    %get3A_39 = arith.constant 4 : index
    %get3A_40 = arith.constant 0 : index
    %get3A_41 = vector.load %arg1[%get3A_38, %get3A_39, %get3A_40] : memref<256x8x128xf32, #tpu.memory_space<vmem>>, vector<256x1x128xf32>
    %get3A_42 = vector.shape_cast %get3A_41 : vector<256x1x128xf32> to vector<256x128xf32>
    %get3A_43 = arith.constant 0 : index
    %get3A_44 = arith.constant 0 : index
    %get3A_45 = vector.load %arg2[%get3A_43, %get3A_44] : memref<128x16xf32, #tpu.memory_space<vmem>>, vector<128x16xf32>
    %dot_general3A_46 = arith.constant dense<0.000000e+00> : vector<256x16xf32>
    %dot_general3A_47 = tpu.matmul %get3A_42, %get3A_45, %dot_general3A_46 {dimension_numbers = #tpu.dot_dimension_numbers<[1], [0], [0], [1], [0, 0, 1, 1], [], []>, transpose_lhs_hint = false} : vector<256x128xf32>, vector<128x16xf32>, vector<256x16xf32> -> vector<256x16xf32>
    %get3A_48 = arith.constant 0 : index
    %get3A_49 = arith.constant 5 : index
    %get3A_50 = arith.constant 0 : index
    %get3A_51 = vector.load %arg1[%get3A_48, %get3A_49, %get3A_50] : memref<256x8x128xf32, #tpu.memory_space<vmem>>, vector<256x1x128xf32>
    %get3A_52 = vector.shape_cast %get3A_51 : vector<256x1x128xf32> to vector<256x128xf32>
    %get3A_53 = arith.constant 0 : index
    %get3A_54 = arith.constant 0 : index
    %get3A_55 = vector.load %arg2[%get3A_53, %get3A_54] : memref<128x16xf32, #tpu.memory_space<vmem>>, vector<128x16xf32>
    %dot_general3A_56 = arith.constant dense<0.000000e+00> : vector<256x16xf32>
    %dot_general3A_57 = tpu.matmul %get3A_52, %get3A_55, %dot_general3A_56 {dimension_numbers = #tpu.dot_dimension_numbers<[1], [0], [0], [1], [0, 0, 1, 1], [], []>, transpose_lhs_hint = false} : vector<256x128xf32>, vector<128x16xf32>, vector<256x16xf32> -> vector<256x16xf32>
    %get3A_58 = arith.constant 0 : index
    %get3A_59 = arith.constant 6 : index
    %get3A_60 = arith.constant 0 : index
    %get3A_61 = vector.load %arg1[%get3A_58, %get3A_59, %get3A_60] : memref<256x8x128xf32, #tpu.memory_space<vmem>>, vector<256x1x128xf32>
    %get3A_62 = vector.shape_cast %get3A_61 : vector<256x1x128xf32> to vector<256x128xf32>
    %get3A_63 = arith.constant 0 : index
    %get3A_64 = arith.constant 0 : index
    %get3A_65 = vector.load %arg2[%get3A_63, %get3A_64] : memref<128x16xf32, #tpu.memory_space<vmem>>, vector<128x16xf32>
    %dot_general3A_66 = arith.constant dense<0.000000e+00> : vector<256x16xf32>
    %dot_general3A_67 = tpu.matmul %get3A_62, %get3A_65, %dot_general3A_66 {dimension_numbers = #tpu.dot_dimension_numbers<[1], [0], [0], [1], [0, 0, 1, 1], [], []>, transpose_lhs_hint = false} : vector<256x128xf32>, vector<128x16xf32>, vector<256x16xf32> -> vector<256x16xf32>
    %get3A_68 = arith.constant 0 : index
    %get3A_69 = arith.constant 7 : index
    %get3A_70 = arith.constant 0 : index
    %get3A_71 = vector.load %arg1[%get3A_68, %get3A_69, %get3A_70] : memref<256x8x128xf32, #tpu.memory_space<vmem>>, vector<256x1x128xf32>
    %get3A_72 = vector.shape_cast %get3A_71 : vector<256x1x128xf32> to vector<256x128xf32>
    %get3A_73 = arith.constant 0 : index
    %get3A_74 = arith.constant 0 : index
    %get3A_75 = vector.load %arg2[%get3A_73, %get3A_74] : memref<128x16xf32, #tpu.memory_space<vmem>>, vector<128x16xf32>
    %dot_general3A_76 = arith.constant dense<0.000000e+00> : vector<256x16xf32>
    %dot_general3A_77 = tpu.matmul %get3A_72, %get3A_75, %dot_general3A_76 {dimension_numbers = #tpu.dot_dimension_numbers<[1], [0], [0], [1], [0, 0, 1, 1], [], []>, transpose_lhs_hint = false} : vector<256x128xf32>, vector<128x16xf32>, vector<256x16xf32> -> vector<256x16xf32>
    %concatenate3A = tpu.concatenate %dot_general3A_7, %dot_general3A_17, %dot_general3A_27, %dot_general3A_37, %dot_general3A_47, %dot_general3A_57, %dot_general3A_67, %dot_general3A_77 in 1 : vector<256x16xf32>, vector<256x16xf32>, vector<256x16xf32>, vector<256x16xf32>, vector<256x16xf32>, vector<256x16xf32>, vector<256x16xf32>, vector<256x16xf32> -> vector<256x128xf32>
    %get3A_78 = arith.constant 0 : index
    %get3A_79 = arith.constant 0 : index
    %get3A_80 = vector.load %arg3[%get3A_78, %get3A_79] : memref<1x128xf32, #tpu.memory_space<vmem>>, vector<1x128xf32>
    %add3A = vector.broadcast %get3A_80 : vector<1x128xf32> to vector<256x128xf32>
    %add3A_81 = arith.addf %concatenate3A, %add3A : vector<256x128xf32>
    %swap3A = arith.constant 0 : index
    %swap3A_82 = arith.constant 0 : index
    %swap3A_83 = vector.load %arg5[%swap3A, %swap3A_82] : memref<256x128xf32, #tpu.memory_space<vmem>>, vector<256x128xf32>
    tpu.vector_store %arg5[%swap3A, %swap3A_82], %add3A_81 {strides = array<i32>} : memref<256x128xf32, #tpu.memory_space<vmem>>, vector<256x128xf32>,
    %get3A_84 = arith.constant 0 : index
    %get3A_85 = arith.constant 0 : index
    %get3A_86 = memref.load %arg4[%get3A_84, %get3A_85] : memref<1x16xf32, #tpu.memory_space<smem>>
    %exp3A = math.exp %get3A_86 : f32
    %mul3A = arith.mulf %exp3A, %exp3A : f32
    %div3A = arith.constant -5.000000e-01 : f32
    %div3A_87 = arith.divf %div3A, %mul3A : f32
    %add3A_88 = arith.constant 0.918938517 : f32
    %add3A_89 = arith.addf %get3A_86, %add3A_88 : f32
    %broadcast_in_dim3A = arith.constant 0.000000e+00 : f32
    %broadcast_in_dim3A_90 = vector.broadcast %broadcast_in_dim3A : f32 to vector<256x128xf32>
    %scan3A = arith.constant 0 : i32
    %scan3A_91 = arith.constant 64 : i32
    %scan3A_92 = arith.addi %scan3A, %scan3A_91 : i32
    %scan3A_93 = arith.constant 8 : i32
    %scan3A_94 = scf.for %scan3A_101 = %scan3A to %scan3A_92 step %scan3A_93 iter_args(%scan3A_102 = %broadcast_in_dim3A_90) -> (vector<256x128xf32>)  : i32 {
      %convert_element_type3A_103 = arith.sitofp %scan3A_101 : i32 to f32
      %mul3A_104 = arith.constant 0.0317460336 : f32
      %mul3A_105 = arith.mulf %convert_element_type3A_103, %mul3A_104 : f32
      %sub3A = arith.constant 1.000000e+00 : f32
      %sub3A_106 = arith.subf %mul3A_105, %sub3A : f32
      %sub3A_107 = vector.broadcast %sub3A_106 : f32 to vector<256x128xf32>
      %sub3A_108 = arith.subf %sub3A_107, %add3A_81 : vector<256x128xf32>
      %mul3A_109 = arith.mulf %sub3A_108, %sub3A_108 : vector<256x128xf32>
      %mul3A_110 = vector.broadcast %div3A_87 : f32 to vector<256x128xf32>
      %mul3A_111 = arith.mulf %mul3A_109, %mul3A_110 : vector<256x128xf32>
      %sub3A_112 = vector.broadcast %add3A_89 : f32 to vector<256x128xf32>
      %sub3A_113 = arith.subf %mul3A_111, %sub3A_112 : vector<256x128xf32>
      %exp3A_114 = math.exp %sub3A_113 : vector<256x128xf32>
      %exp3A_115 = math.exp %exp3A_114 : vector<256x128xf32>
      %add3A_116 = arith.addf %scan3A_102, %exp3A_115 : vector<256x128xf32>
      %scan3A_117 = arith.constant 1 : i32
      %scan3A_118 = arith.addi %scan3A_101, %scan3A_117 : i32
      %convert_element_type3A_119 = arith.sitofp %scan3A_118 : i32 to f32
      %mul3A_120 = arith.constant 0.0317460336 : f32
      %mul3A_121 = arith.mulf %convert_element_type3A_119, %mul3A_120 : f32
      %sub3A_122 = arith.constant 1.000000e+00 : f32
      %sub3A_123 = arith.subf %mul3A_121, %sub3A_122 : f32
      %sub3A_124 = vector.broadcast %sub3A_123 : f32 to vector<256x128xf32>
      %sub3A_125 = arith.subf %sub3A_124, %add3A_81 : vector<256x128xf32>
      %mul3A_126 = arith.mulf %sub3A_125, %sub3A_125 : vector<256x128xf32>
      %mul3A_127 = vector.broadcast %div3A_87 : f32 to vector<256x128xf32>
      %mul3A_128 = arith.mulf %mul3A_126, %mul3A_127 : vector<256x128xf32>
      %sub3A_129 = vector.broadcast %add3A_89 : f32 to vector<256x128xf32>
      %sub3A_130 = arith.subf %mul3A_128, %sub3A_129 : vector<256x128xf32>
      %exp3A_131 = math.exp %sub3A_130 : vector<256x128xf32>
      %exp3A_132 = math.exp %exp3A_131 : vector<256x128xf32>
      %add3A_133 = arith.addf %add3A_116, %exp3A_132 : vector<256x128xf32>
      %scan3A_134 = arith.constant 2 : i32
      %scan3A_135 = arith.addi %scan3A_101, %scan3A_134 : i32
      %convert_element_type3A_136 = arith.sitofp %scan3A_135 : i32 to f32
      %mul3A_137 = arith.constant 0.0317460336 : f32
      %mul3A_138 = arith.mulf %convert_element_type3A_136, %mul3A_137 : f32
      %sub3A_139 = arith.constant 1.000000e+00 : f32
      %sub3A_140 = arith.subf %mul3A_138, %sub3A_139 : f32
      %sub3A_141 = vector.broadcast %sub3A_140 : f32 to vector<256x128xf32>
      %sub3A_142 = arith.subf %sub3A_141, %add3A_81 : vector<256x128xf32>
      %mul3A_143 = arith.mulf %sub3A_142, %sub3A_142 : vector<256x128xf32>
      %mul3A_144 = vector.broadcast %div3A_87 : f32 to vector<256x128xf32>
      %mul3A_145 = arith.mulf %mul3A_143, %mul3A_144 : vector<256x128xf32>
      %sub3A_146 = vector.broadcast %add3A_89 : f32 to vector<256x128xf32>
      %sub3A_147 = arith.subf %mul3A_145, %sub3A_146 : vector<256x128xf32>
      %exp3A_148 = math.exp %sub3A_147 : vector<256x128xf32>
      %exp3A_149 = math.exp %exp3A_148 : vector<256x128xf32>
      %add3A_150 = arith.addf %add3A_133, %exp3A_149 : vector<256x128xf32>
      %scan3A_151 = arith.constant 3 : i32
      %scan3A_152 = arith.addi %scan3A_101, %scan3A_151 : i32
      %convert_element_type3A_153 = arith.sitofp %scan3A_152 : i32 to f32
      %mul3A_154 = arith.constant 0.0317460336 : f32
      %mul3A_155 = arith.mulf %convert_element_type3A_153, %mul3A_154 : f32
      %sub3A_156 = arith.constant 1.000000e+00 : f32
      %sub3A_157 = arith.subf %mul3A_155, %sub3A_156 : f32
      %sub3A_158 = vector.broadcast %sub3A_157 : f32 to vector<256x128xf32>
      %sub3A_159 = arith.subf %sub3A_158, %add3A_81 : vector<256x128xf32>
      %mul3A_160 = arith.mulf %sub3A_159, %sub3A_159 : vector<256x128xf32>
      %mul3A_161 = vector.broadcast %div3A_87 : f32 to vector<256x128xf32>
      %mul3A_162 = arith.mulf %mul3A_160, %mul3A_161 : vector<256x128xf32>
      %sub3A_163 = vector.broadcast %add3A_89 : f32 to vector<256x128xf32>
      %sub3A_164 = arith.subf %mul3A_162, %sub3A_163 : vector<256x128xf32>
      %exp3A_165 = math.exp %sub3A_164 : vector<256x128xf32>
      %exp3A_166 = math.exp %exp3A_165 : vector<256x128xf32>
      %add3A_167 = arith.addf %add3A_150, %exp3A_166 : vector<256x128xf32>
      %scan3A_168 = arith.constant 4 : i32
      %scan3A_169 = arith.addi %scan3A_101, %scan3A_168 : i32
      %convert_element_type3A_170 = arith.sitofp %scan3A_169 : i32 to f32
      %mul3A_171 = arith.constant 0.0317460336 : f32
      %mul3A_172 = arith.mulf %convert_element_type3A_170, %mul3A_171 : f32
      %sub3A_173 = arith.constant 1.000000e+00 : f32
      %sub3A_174 = arith.subf %mul3A_172, %sub3A_173 : f32
      %sub3A_175 = vector.broadcast %sub3A_174 : f32 to vector<256x128xf32>
      %sub3A_176 = arith.subf %sub3A_175, %add3A_81 : vector<256x128xf32>
      %mul3A_177 = arith.mulf %sub3A_176, %sub3A_176 : vector<256x128xf32>
      %mul3A_178 = vector.broadcast %div3A_87 : f32 to vector<256x128xf32>
      %mul3A_179 = arith.mulf %mul3A_177, %mul3A_178 : vector<256x128xf32>
      %sub3A_180 = vector.broadcast %add3A_89 : f32 to vector<256x128xf32>
      %sub3A_181 = arith.subf %mul3A_179, %sub3A_180 : vector<256x128xf32>
      %exp3A_182 = math.exp %sub3A_181 : vector<256x128xf32>
      %exp3A_183 = math.exp %exp3A_182 : vector<256x128xf32>
      %add3A_184 = arith.addf %add3A_167, %exp3A_183 : vector<256x128xf32>
      %scan3A_185 = arith.constant 5 : i32
      %scan3A_186 = arith.addi %scan3A_101, %scan3A_185 : i32
      %convert_element_type3A_187 = arith.sitofp %scan3A_186 : i32 to f32
      %mul3A_188 = arith.constant 0.0317460336 : f32
      %mul3A_189 = arith.mulf %convert_element_type3A_187, %mul3A_188 : f32
      %sub3A_190 = arith.constant 1.000000e+00 : f32
      %sub3A_191 = arith.subf %mul3A_189, %sub3A_190 : f32
      %sub3A_192 = vector.broadcast %sub3A_191 : f32 to vector<256x128xf32>
      %sub3A_193 = arith.subf %sub3A_192, %add3A_81 : vector<256x128xf32>
      %mul3A_194 = arith.mulf %sub3A_193, %sub3A_193 : vector<256x128xf32>
      %mul3A_195 = vector.broadcast %div3A_87 : f32 to vector<256x128xf32>
      %mul3A_196 = arith.mulf %mul3A_194, %mul3A_195 : vector<256x128xf32>
      %sub3A_197 = vector.broadcast %add3A_89 : f32 to vector<256x128xf32>
      %sub3A_198 = arith.subf %mul3A_196, %sub3A_197 : vector<256x128xf32>
      %exp3A_199 = math.exp %sub3A_198 : vector<256x128xf32>
      %exp3A_200 = math.exp %exp3A_199 : vector<256x128xf32>
      %add3A_201 = arith.addf %add3A_184, %exp3A_200 : vector<256x128xf32>
      %scan3A_202 = arith.constant 6 : i32
      %scan3A_203 = arith.addi %scan3A_101, %scan3A_202 : i32
      %convert_element_type3A_204 = arith.sitofp %scan3A_203 : i32 to f32
      %mul3A_205 = arith.constant 0.0317460336 : f32
      %mul3A_206 = arith.mulf %convert_element_type3A_204, %mul3A_205 : f32
      %sub3A_207 = arith.constant 1.000000e+00 : f32
      %sub3A_208 = arith.subf %mul3A_206, %sub3A_207 : f32
      %sub3A_209 = vector.broadcast %sub3A_208 : f32 to vector<256x128xf32>
      %sub3A_210 = arith.subf %sub3A_209, %add3A_81 : vector<256x128xf32>
      %mul3A_211 = arith.mulf %sub3A_210, %sub3A_210 : vector<256x128xf32>
      %mul3A_212 = vector.broadcast %div3A_87 : f32 to vector<256x128xf32>
      %mul3A_213 = arith.mulf %mul3A_211, %mul3A_212 : vector<256x128xf32>
      %sub3A_214 = vector.broadcast %add3A_89 : f32 to vector<256x128xf32>
      %sub3A_215 = arith.subf %mul3A_213, %sub3A_214 : vector<256x128xf32>
      %exp3A_216 = math.exp %sub3A_215 : vector<256x128xf32>
      %exp3A_217 = math.exp %exp3A_216 : vector<256x128xf32>
      %add3A_218 = arith.addf %add3A_201, %exp3A_217 : vector<256x128xf32>
      %scan3A_219 = arith.constant 7 : i32
      %scan3A_220 = arith.addi %scan3A_101, %scan3A_219 : i32
      %convert_element_type3A_221 = arith.sitofp %scan3A_220 : i32 to f32
      %mul3A_222 = arith.constant 0.0317460336 : f32
      %mul3A_223 = arith.mulf %convert_element_type3A_221, %mul3A_222 : f32
      %sub3A_224 = arith.constant 1.000000e+00 : f32
      %sub3A_225 = arith.subf %mul3A_223, %sub3A_224 : f32
      %sub3A_226 = vector.broadcast %sub3A_225 : f32 to vector<256x128xf32>
      %sub3A_227 = arith.subf %sub3A_226, %add3A_81 : vector<256x128xf32>
      %mul3A_228 = arith.mulf %sub3A_227, %sub3A_227 : vector<256x128xf32>
      %mul3A_229 = vector.broadcast %div3A_87 : f32 to vector<256x128xf32>
      %mul3A_230 = arith.mulf %mul3A_228, %mul3A_229 : vector<256x128xf32>
      %sub3A_231 = vector.broadcast %add3A_89 : f32 to vector<256x128xf32>
      %sub3A_232 = arith.subf %mul3A_230, %sub3A_231 : vector<256x128xf32>
      %exp3A_233 = math.exp %sub3A_232 : vector<256x128xf32>
      %exp3A_234 = math.exp %exp3A_233 : vector<256x128xf32>
      %add3A_235 = arith.addf %add3A_218, %exp3A_234 : vector<256x128xf32>
      scf.yield %add3A_235 : vector<256x128xf32>
    }
    %scan3A_95 = arith.constant 64 : i32
    %swap3A_96 = arith.constant 0 : index
    %swap3A_97 = arith.constant 0 : index
    %swap3A_98 = vector.load %arg6[%swap3A_96, %swap3A_97] : memref<256x128xf32, #tpu.memory_space<vmem>>, vector<256x128xf32>
    tpu.vector_store %arg6[%swap3A_96, %swap3A_97], %scan3A_94 {strides = array<i32>} : memref<256x128xf32, #tpu.memory_space<vmem>>, vector<256x128xf32>,
    %eq3A = arith.constant 0 : i32
    %eq3A_99 = arith.cmpi eq, %arg0, %eq3A : i32
    %convert_element_type3A = arith.extui %eq3A_99 : i1 to i32
    %cond3A = arith.constant 0 : i32
    %cond3A_100 = arith.cmpi ne, %convert_element_type3A, %cond3A : i32
    scf.if %cond3A_100 {
      %get3A_101 = arith.constant 0 : index
      %get3A_102 = arith.constant 0 : index
      %get3A_103 = memref.load %arg4[%get3A_101, %get3A_102] : memref<1x16xf32, #tpu.memory_space<smem>>
      %add3A_104 = arith.constant 0.000000e+00 : f32
      %add3A_105 = arith.addf %add3A_104, %get3A_103 : f32
      %get3A_106 = arith.constant 0 : index
      %get3A_107 = arith.constant 1 : index
      %get3A_108 = memref.load %arg4[%get3A_106, %get3A_107] : memref<1x16xf32, #tpu.memory_space<smem>>
      %add3A_109 = arith.addf %add3A_105, %get3A_108 : f32
      %get3A_110 = arith.constant 0 : index
      %get3A_111 = arith.constant 2 : index
      %get3A_112 = memref.load %arg4[%get3A_110, %get3A_111] : memref<1x16xf32, #tpu.memory_space<smem>>
      %add3A_113 = arith.addf %add3A_109, %get3A_112 : f32
      %get3A_114 = arith.constant 0 : index
      %get3A_115 = arith.constant 3 : index
      %get3A_116 = memref.load %arg4[%get3A_114, %get3A_115] : memref<1x16xf32, #tpu.memory_space<smem>>
      %add3A_117 = arith.addf %add3A_113, %get3A_116 : f32
      %get3A_118 = arith.constant 0 : index
      %get3A_119 = arith.constant 4 : index
      %get3A_120 = memref.load %arg4[%get3A_118, %get3A_119] : memref<1x16xf32, #tpu.memory_space<smem>>
      %add3A_121 = arith.addf %add3A_117, %get3A_120 : f32
      %get3A_122 = arith.constant 0 : index
      %get3A_123 = arith.constant 5 : index
      %get3A_124 = memref.load %arg4[%get3A_122, %get3A_123] : memref<1x16xf32, #tpu.memory_space<smem>>
      %add3A_125 = arith.addf %add3A_121, %get3A_124 : f32
      %get3A_126 = arith.constant 0 : index
      %get3A_127 = arith.constant 6 : index
      %get3A_128 = memref.load %arg4[%get3A_126, %get3A_127] : memref<1x16xf32, #tpu.memory_space<smem>>
      %add3A_129 = arith.addf %add3A_125, %get3A_128 : f32
      %get3A_130 = arith.constant 0 : index
      %get3A_131 = arith.constant 7 : index
      %get3A_132 = memref.load %arg4[%get3A_130, %get3A_131] : memref<1x16xf32, #tpu.memory_space<smem>>
      %add3A_133 = arith.addf %add3A_129, %get3A_132 : f32
      %get3A_134 = arith.constant 0 : index
      %get3A_135 = arith.constant 8 : index
      %get3A_136 = memref.load %arg4[%get3A_134, %get3A_135] : memref<1x16xf32, #tpu.memory_space<smem>>
      %add3A_137 = arith.addf %add3A_133, %get3A_136 : f32
      %get3A_138 = arith.constant 0 : index
      %get3A_139 = arith.constant 9 : index
      %get3A_140 = memref.load %arg4[%get3A_138, %get3A_139] : memref<1x16xf32, #tpu.memory_space<smem>>
      %add3A_141 = arith.addf %add3A_137, %get3A_140 : f32
      %get3A_142 = arith.constant 0 : index
      %get3A_143 = arith.constant 10 : index
      %get3A_144 = memref.load %arg4[%get3A_142, %get3A_143] : memref<1x16xf32, #tpu.memory_space<smem>>
      %add3A_145 = arith.addf %add3A_141, %get3A_144 : f32
      %get3A_146 = arith.constant 0 : index
      %get3A_147 = arith.constant 11 : index
      %get3A_148 = memref.load %arg4[%get3A_146, %get3A_147] : memref<1x16xf32, #tpu.memory_space<smem>>
      %add3A_149 = arith.addf %add3A_145, %get3A_148 : f32
      %get3A_150 = arith.constant 0 : index
      %get3A_151 = arith.constant 12 : index
      %get3A_152 = memref.load %arg4[%get3A_150, %get3A_151] : memref<1x16xf32, #tpu.memory_space<smem>>
      %add3A_153 = arith.addf %add3A_149, %get3A_152 : f32
      %get3A_154 = arith.constant 0 : index
      %get3A_155 = arith.constant 13 : index
      %get3A_156 = memref.load %arg4[%get3A_154, %get3A_155] : memref<1x16xf32, #tpu.memory_space<smem>>
      %add3A_157 = arith.addf %add3A_153, %get3A_156 : f32
      %get3A_158 = arith.constant 0 : index
      %get3A_159 = arith.constant 14 : index
      %get3A_160 = memref.load %arg4[%get3A_158, %get3A_159] : memref<1x16xf32, #tpu.memory_space<smem>>
      %add3A_161 = arith.addf %add3A_157, %get3A_160 : f32
      %get3A_162 = arith.constant 0 : index
      %get3A_163 = arith.constant 15 : index
      %get3A_164 = memref.load %arg4[%get3A_162, %get3A_163] : memref<1x16xf32, #tpu.memory_space<smem>>
      %add3A_165 = arith.addf %add3A_161, %get3A_164 : f32
      %div3A_166 = arith.constant 1.600000e+01 : f32
      %div3A_167 = arith.divf %add3A_165, %div3A_166 : f32
      %add3A_168 = arith.constant 1.41893852 : f32
      %add3A_169 = arith.addf %add3A_168, %div3A_167 : f32
      %swap3A_170 = arith.constant 0 : index
      %swap3A_171 = arith.constant 0 : index
      %swap3A_172 = memref.load %arg7[%swap3A_170, %swap3A_171] : memref<1x1xf32, #tpu.memory_space<smem>>
      memref.store %add3A_169, %arg7[%swap3A_170, %swap3A_171] : memref<1x1xf32, #tpu.memory_space<smem>>
    } else {
    }
    return
  }
  func.func @transform_0(%arg0: i32) -> (i32, i32, i32) {
    %c0_i32 = arith.constant 0 : i32
    %c0_i32_0 = arith.constant 0 : i32
    %c0_i32_1 = arith.constant 0 : i32
    return %arg0, %c0_i32, %c0_i32_0 : i32, i32, i32
  }
  func.func @transform_1(%arg0: i32) -> (i32, i32) {
    %c0_i32 = arith.constant 0 : i32
    %c0_i32_0 = arith.constant 0 : i32
    %c0_i32_1 = arith.constant 0 : i32
    return %c0_i32, %c0_i32_0 : i32, i32
  }
  func.func @transform_2(%arg0: i32) -> (i32, i32) {
    %c0_i32 = arith.constant 0 : i32
    %c0_i32_0 = arith.constant 0 : i32
    %c0_i32_1 = arith.constant 0 : i32
    return %c0_i32, %c0_i32_0 : i32, i32
  }
  func.func @transform_3(%arg0: i32) -> (i32, i32) {
    %c0_i32 = arith.constant 0 : i32
    %c0_i32_0 = arith.constant 0 : i32
    %c0_i32_1 = arith.constant 0 : i32
    return %c0_i32, %c0_i32_0 : i32, i32
  }
  func.func @transform_4(%arg0: i32) -> (i32, i32) {
    %c0_i32 = arith.constant 0 : i32
    %c0_i32_0 = arith.constant 0 : i32
    return %arg0, %c0_i32 : i32, i32
  }
  func.func @transform_5(%arg0: i32) -> (i32, i32) {
    %c0_i32 = arith.constant 0 : i32
    %c0_i32_0 = arith.constant 0 : i32
    return %arg0, %c0_i32 : i32, i32
  }
  func.func @transform_6(%arg0: i32) -> (i32, i32) {
    %c0_i32 = arith.constant 0 : i32
    %c0_i32_0 = arith.constant 0 : i32
    %c0_i32_1 = arith.constant 0 : i32
    return %c0_i32, %c0_i32_0 : i32, i32
  }
}

</mosaic_0001>

<sc_bundles>
// kernel: kernel.4.cloned.1.call-start
scs
__scs_entry_jumppad:
0x0: {  	(pc) =	sbr.rel $0x88, $3  }
0x1: {  	(tag) =	ssettag $0x0;
	lr =	simm.s32 $0x1  }
0x2: {  	[smem:$0x3F9C] =	sst lr;
	_ =	strace $0xD0000000  }
0x3: {  	_ = 	snop  }
0x4: {  	_ = 	snop  }
0x5: {  	_ = 	snop  }
0x6: {  	_ = 	snop  }
0x7: {  	_ = 	snop  }
__scs_overlays_trampoline_lowered:
0x8: {  	[smem:$0x3FAB] =	sst s0  }
0x9: {  	[smem:$0x3FAC] =	sst s1  }
0xa: {  	[smem:$0x3FAD] =	sst s2  }
0xb: {  	[smem:$0x3FAE] =	sst s3  }
0xc: {  	[smem:$0x3FAF] =	sst s4  }
0xd: {  	[smem:$0x3FB0] =	sst s5  }
0xe: {  	[smem:$0x3FB1] =	sst s6  }
0xf: {  	[smem:$0x3FB2] =	sst s7  }
0x10: {  	[smem:$0x3FB3] =	sst s8  }
0x11: {  	[smem:$0x3FB4] =	sst s9;
	s0 =	simm.s32 @!p0 $0x0  }
0x12: {  	s1 =	sld [smem:$0x3F9A];
	s0 =	simm.s32 @p0 $0x1  }
0x13: {  	[smem:$0x3FB5] =	sst s0;
	s0 =	simm.s32 @!p1 $0x0  }
0x14: {  	s2 =	sld [smem:$0x3F99];
	s0 =	simm.s32 @p1 $0x1  }
0x15: {  	[smem:$0x3FB6] =	sst s0;
	s0 =	simm.s32 @!p2 $0x0  }
0x16: {  	s3 =	sld [smem:$0x3FDB];
	s0 =	simm.s32 @p2 $0x1  }
0x17: {  	s4 =	simm.s32 $0x1BF5;
	[smem:$0x3FB8] =	sst s0  }
0x18: {  	s0 =	sld [smem:$0x3F9B];
	_ =	swait.ge [sflag:s4], $0x0  }
0x19: {  	s7 =	sld [smem:$0x3F9C]  }
0x1a: {  	s8 =	sadd.s32 $0xFFFFE003, lr  }
0x1b: {  	s9 =	sadd.s32 $0xFFFFFEF7, lr;
	s5 =	simm.s32 $0xFFFFFFFF;
	p2 =	slt.u32 s8, $0xFFFFF086  }
0x1c: {  	p1 =	slt.u32 s9, $0xF7A;
	s5 =	simm.s32 @!p2 $0x0  }
0x1d: {  	s5 =	simm.s32 @p1 $0x1;
	p0 =	seq.s32 s7, s2  }
0x1e: {  	s7 =	smul.u32 @!p0 $0xF7A, s2;
	p2 =	seq.s32 @!p0 s5, $0x0  }
0x1f: {  	s9 =	smul.u32 $0xF7A, s1;
	s8 =	simm.s32 @!p0 $0x1BF5;
	p2 =	por !p2, p0  }
0x20: {  	[sflag:s8] =	ssyncset.s32 @!p0 $0xFFFFF086;
	s6 =	sadd.s32 @!p0 s3, s7;
	s7 =	simm.s32 @!p0 $0x108  }
0x21: {  	s3 =	sadd.s32 s3, s9;
	s6 =	sadd.s32 @!p0 $0x88, s6;
	s7 =	simm.s32 @p2 $0x1082  }
0x22: {  	[simem:s7], [sflag:s8] =	dma.local @!p0 [hbm:s6], $0xF7A  }
0x23: {  	s9 =	sor.u32 $0xD0000000, s2;
	s6 =	simm.s32 $0x108;
	_ =	swait.ge @!p0 [sflag:s8], $0x0  }
0x24: {  	s3 =	sadd.s32 $0x88, s3;
	s6 =	simm.s32 @!p1 $0x1082;
	[sflag:s4] =	ssyncset.s32 $0xFFFFF086  }
0x25: {  	[simem:s6], [sflag:s4] =	dma.local [hbm:s3], $0xF7A  }
0x26: {  	[smem:$0x3F9C] =	sst s1;
	(tag) =	ssettag s2;
	_ =	strace s9  }
0x27: {  	s1 =	sld [smem:$0x3FAC]  }
0x28: {  	s2 =	sld [smem:$0x3FAD]  }
0x29: {  	s4 =	sld [smem:$0x3FAF]  }
0x2a: {  	p0 =	seq.s32 s5, $0x0;
	s5 =	sld [smem:$0x3FB0]  }
0x2b: {  	s6 =	sld [smem:$0x3FB1]  }
0x2c: {  	s7 =	sld [smem:$0x3FB2]  }
0x2d: {  	s3 =	simm.s32 $0x108;
	s8 =	sld [smem:$0x3FB3]  }
0x2e: {  	s3 =	simm.s32 @!p0 $0x1082;
	s9 =	sld [smem:$0x3FB4]  }
0x2f: {  	lr =	sadd.s32 s0, s3;
	s0 =	sld [smem:$0x3FAB]  }
0x30: {  	s3 =	sld [smem:$0x3FAE]  }
0x31: {  	[smem:$0x3FB7] =	sst s10  }
0x32: {  	s10 =	sld [smem:$0x3FB5];
	_ =	sdelay $0x3  }
0x33: {  	p0 =	seq.s32 s10, $0x1;
	s10 =	sld [smem:$0x3FB7];
	_ =	sdelay $0x3  }
0x34: {  	[smem:$0x3FB7] =	sst s10  }
0x35: {  	s10 =	sld [smem:$0x3FB6];
	_ =	sdelay $0x3  }
0x36: {  	p1 =	seq.s32 s10, $0x1;
	s10 =	sld [smem:$0x3FB7];
	_ =	sdelay $0x3  }
0x37: {  	[smem:$0x3FB7] =	sst s10  }
0x38: {  	s10 =	sld [smem:$0x3FB8]  }
0x39: {  	_ = 	snop;
	(pc) =	sbr.ind lr, $3  }
0x3a: {  	_ = 	snop  }
0x3b: {  	_ = 	snop  }
0x3c: {  	p2 =	seq.s32 s10, $0x1;
	s10 =	sld [smem:$0x3FB7]  }
0x3d: {  	_ =	shalt  }
0x3e: {  	_ =	shalt  }
0x3f: {  	_ =	shalt  }
0x40: {  	_ =	shalt  }
0x41: {  	_ =	shalt  }
0x42: {  	_ =	shalt  }
0x43: {  	_ =	shalt  }
0x44: {  	_ =	shalt  }
0x45: {  	_ =	shalt  }
0x46: {  	_ =	shalt  }
0x47: {  	_ =	shalt  }
0x48: {  	_ =	shalt  }
0x49: {  	_ =	shalt  }
0x4a: {  	_ =	shalt  }
0x4b: {  	_ =	shalt  }
0x4c: {  	_ =	shalt  }
0x4d: {  	_ =	shalt  }
0x4e: {  	_ =	shalt  }
0x4f: {  	_ =	shalt  }
0x50: {  	_ =	shalt  }
0x51: {  	_ =	shalt  }
0x52: {  	_ =	shalt  }
0x53: {  	_ =	shalt  }
0x54: {  	_ =	shalt  }
0x55: {  	_ =	shalt  }
0x56: {  	_ =	shalt  }
0x57: {  	_ =	shalt  }
0x58: {  	_ =	shalt  }
0x59: {  	_ =	shalt  }
0x5a: {  	_ =	shalt  }
0x5b: {  	_ =	shalt  }
0x5c: {  	_ =	shalt  }
0x5d: {  	_ =	shalt  }
0x5e: {  	_ =	shalt  }
0x5f: {  	_ =	shalt  }
0x60: {  	_ =	shalt  }
0x61: {  	_ =	shalt  }
0x62: {  	_ =	shalt  }
0x63: {  	_ =	shalt  }
0x64: {  	_ =	shalt  }
0x65: {  	_ =	shalt  }
0x66: {  	_ =	shalt  }
0x67: {  	_ =	shalt  }
0x68: {  	_ =	shalt  }
0x69: {  	_ =	shalt  }
0x6a: {  	_ =	shalt  }
0x6b: {  	_ =	shalt  }
0x6c: {  	_ =	shalt  }
0x6d: {  	_ =	shalt  }
0x6e: {  	_ =	shalt  }
0x6f: {  	_ =	shalt  }
0x70: {  	_ =	shalt  }
0x71: {  	_ =	shalt  }
0x72: {  	_ =	shalt  }
0x73: {  	_ =	shalt  }
0x74: {  	_ =	shalt  }
0x75: {  	_ =	shalt  }
0x76: {  	_ =	shalt  }
0x77: {  	_ =	shalt  }
0x78: {  	_ =	shalt  }
0x79: {  	_ =	shalt  }
0x7a: {  	_ =	shalt  }
0x7b: {  	_ =	shalt  }
0x7c: {  	_ =	shalt  }
0x7d: {  	_ =	shalt  }
0x7e: {  	_ =	shalt  }
0x7f: {  	_ =	shalt  }
0x80: {  	_ =	shalt  }
0x81: {  	_ =	shalt  }
0x82: {  	_ =	shalt  }
0x83: {  	_ =	shalt  }
0x84: {  	_ =	shalt  }
0x85: {  	_ =	shalt  }
0x86: {  	_ =	shalt  }
0x87: {  	_ =	shalt  }
.Lfunc_end0:
.L_simem_size_0:
called_computation_lowered:
.L_overlay_start_0:
0x88: {  	s2 =	sld [smem:$0x3FD9]  }
0x89: {  	s3 =	sld [smem:$0x3FFE];
	_ =	sdelay $0x1  }
0x8a: {  	s1 =	srdreg.scid  }
0x8b: {  	s0 =	sand.u32 $0x1, s1  }
0x8c: {  	s14 =	sshll.u32 s0, $0xA;
	s2 =	sadd.s32 s3, s2  }
0x8d: {  	s2 =	sadd.s32 s2, s14  }
0x8e: {  	[smem:$0x3FC3] =	sst s2  }
0x8f: {  	_ = 	snop  }
0x90: {  	s2 =	sld [smem:$0x3FD0];
	_ =	sdelay $0x1  }
0x91: {  	s15 =	sld [smem:$0x3FC8]  }
0x92: {  	s5 =	simm.s32 $0xA;
	s6 =	simm.s32 $0x10;
	s4 =	sld [smem:$0x3FC5]  }
0x93: {  	[smem:s6], [sflag:s5] =	dma.local [hbm:s2], $0x1  }
0x94: {  	_ =	swait.eq [sflag:s5], $0x1  }
0x95: {  	[sflag:s5] =	ssyncset.done $0x0  }
0x96: {  	[sflag:s5] =	ssyncadd.s32 $0xFFFFFFFF  }
0x97: {  	s16 =	sld [smem:$0x10];
	(tm) =	ssettm $0x1  }
0x98: {  	s17 =	sld [smem:$0x3FFB];
	_ =	sdelay $0x3  }
0x99: {  	_ =	strace s17  }
0x9a: {  	s5 =	sld [smem:$0x3FFC];
	_ =	sdelay $0x3  }
0x9b: {  	_ =	strace s5  }
0x9c: {  	s5 =	sld [smem:$0x3FFD];
	_ =	sdelay $0x3  }
0x9d: {  	_ =	strace s5  }
0x9e: {  	_ =	strace $0x8FFFFFFF  }
0x9f: {  	s18 =	sld [smem:$0x3FDB];
	_ =	sdelay $0x1  }
0xa0: {  	s19 =	simm.s32 $_scs_section_size  }
0xa1: {  	s7 =	simm.s32 $_size__tile_overlayer_lowered;
	s8 =	simm.s32 $_tile_overlayer_lowered  }
0xa2: {  	s22 =	simm.s32 $0x1BFF;
	s21 =	sshll.u32 s8, $0x1;
	s5 =	sadd.s32 s19, s18  }
0xa3: {  	s9 =	simm.s32 $0x0;
	s20 =	sshll.u32 s7, $0x1;
	s7 =	sadd.s32 s21, s5  }
0xa4: {  	[timem:s9], [sflag:s22] =	dma.local [hbm:s7], s20  }
0xa5: {  	_ =	swait.ge [sflag:s22], s20  }
0xa6: {  	s6 =	ssub.s32 $0x0, s20;
	[sflag:s22] =	ssyncset.done $0x0  }
0xa7: {  	[sflag:s22] =	ssyncadd.s32 s6;
	_ =	sdelay $0x1  }
0xa8: {  	s23 =	simm.s32 $0x1B8B  }
0xa9: {  	_ =	swait.ge [sflag:s23], $0x1  }
0xaa: {  	[sflag:s23] =	ssyncset.done $0x0  }
0xab: {  	s25 =	simm.s32 $0x1B8E;
	s24 =	sld [smem:$0x3FFE];
	[sflag:s23] =	ssyncadd.s32 $0xFFFFFFFF  }
0xac: {  	s26 =	simm.s32 $execute0_lowered;
	[smem:$0x3FD2] =	sst s25  }
0xad: {  	s7 =	sshll.u32 s26, $0x1;
	_ =	strace $0x80000046;
	[dreg:$0x1] =	wrdreg $0xFFFFFFFF  }
0xae: {  	s28 =	simm.s32 $_size_execute0_lowered;
	s5 =	sadd.s32 s5, s7;
	[dreg:$0x0] =	wrdreg $0x0  }
0xaf: {  	s7 =	sshll.u32 s28, $0x1;
	[dreg:$0x2] =	wrdreg s5  }
0xb0: {  	[dreg:$0x3] =	wrdreg s7  }
0xb1: {  	[dreg:$0x4] =	wrdreg $0xC0  }
0xb2: {  	_ =	task [dreg:s9], $0x5FFFF  }
0xb3: {  	[dreg:$0x1] =	wrdreg $0xFFFFFFFF  }
0xb4: {  	[dreg:$0x0] =	wrdreg $0x60  }
0xb5: {  	[dreg:$0x2] =	wrdreg s24  }
0xb6: {  	[dreg:$0x3] =	wrdreg s4  }
0xb7: {  	[dreg:$0x4] =	wrdreg s15  }
0xb8: {  	[dreg:$0x5] =	wrdreg s16  }
0xb9: {  	[dreg:$0x6] =	wrdreg $0x9  }
0xba: {  	_ =	task.clear_ibuf [dreg:s9], $0x7FFFF;
	_ =	strace $0x90000046  }
0xbb: {  	s29 =	simm.s32 $0x9;
	_ =	strace $0x80000048  }
0xbc: {  	_ =	swait.ge [sflag:s29], $0x1  }
0xbd: {  	[sflag:s29] =	ssyncadd.s32 $0xFFFFFFFF  }
0xbe: {  	_ =	strace $0x90000048  }
0xbf: {  	_ =	sfence  }
0xc0: {  	s30 =	sld [smem:$0x0];
	_ =	sdelay $0x2  }
0xc1: {  	s31 =	sshll.u32 s1, $0xD;
	s1 =	sshrl.u32 s1, $0x2  }
0xc2: {  	s3 =	sand.u32 $0x4000, s31;
	s1 =	sadd.s32 s1, s30  }
0xc3: {  	s0 =	sor.u32 s3, s0;
	s1 =	sshll.u32 s1, $0x11  }
0xc4: {  	s0 =	sor.u32 s1, s0  }
0xc5: {  	s0 =	sadd.s32 $0x8F2B, s0  }
0xc6: {  	[sflag:s0] =	ssyncadd.remote.s32 $0x1  }
0xc7: {  	_ =	sfence.sel $0xFFFF  }
0xc8: {  	[dreg:$0x0] =	wrdreg $0xFFFFFFFF;
	(pc) =	sbr.abs _section_cstart, $3  }
0xc9: {  	[dreg:$0x1] =	wrdreg $0xFFFFFFFF  }
0xca: {  	_ =	task.clear_ibuf [dreg:s9], $0x2FFFF;
	_ =	strace $0x9FFFFFFF  }
0xcb: {  	(tm) =	ssettm $0x7FFFFFFF  }
tec
execute0_lowered:
.L_overlay_start_1:
0x0: {  	(tag) =	ssettag $0x1  }
0x1: {  	s0 =	rddreg [dreg:$0x0]  }
0x2: {  	s4 =	rddreg [dreg:$0x2]  }
0x3: {  	s19 =	rddreg [dreg:$0x3]  }
0x4: {  	s1 =	srdreg.scid;
	s2 =	stileid.u32;
	s5 =	simm.s32 $0x0  }
0x5: {  	s12 =	simm.s32 $0x200;
	s1 =	sand.u32 $0x1, s1;
	s2 =	sshll.u32 s2, $0xD  }
0x6: {  	[smem:$0x7FF] =	sst s5;
	s3 =	sshll.u32 s1, $0xC;
	s1 =	ssub.s32 $0x2, s1  }
0x7: {  	_ =	strace $0x80000047;
	s25 =	sor.u32 s3, s2;
	s26 =	sshrl.u32 s1, $0x1  }
0x8: {  	s2 =	sshrl.u32 s25, $0x3;
	[dreg:$0x5] =	wrdreg s25;
	s28 =	sadd.s32 s4, s25  }
0x9: {  	s1 =	ssub.s32 s1, s26;
	[dreg:$0x6] =	wrdreg s28;
	s30 =	sadd.s32 $0x20000, s28  }
0xa: {  	s0 =	sadd.s32 s2, s0;
	s31 =	smax.u32 s1, $0x1;
	[dreg:$0x9] =	wrdreg s30  }
0xb: {  	s13 =	simm.s32 $0x400;
	s29 =	sadd.s32 $0xE00, s0;
	[dreg:$0xa] =	wrdreg s31  }
0xc: {  	s21 =	simm.s32 $0x2;
	s0 =	sadd.s32 $0x4E00, s0;
	[dreg:$0x7] =	wrdreg s29  }
0xd: {  	s26 =	simm.s32 $0x0;
	s2 =	simm.s32 $0x0;
	[dreg:$0x8] =	wrdreg s0  }
.LBB2_1:
0xe: {  	[dreg:$0xb] =	wrdreg s2  }
0xf: {  	s0 =	rddreg [dreg:$0x6];
	s1 =	simm.s32 $0x2080  }
0x10: {  	[tilespmem:s1], [sflag:$0x1] =	stream.strided.gather [hbm4b:s0+s12], $0x4000, s13, s12, $0x38;
	[tilespmem:$0x12080] =	vst v63  }
0x11: {  	s23 =	simm.s32 $0x0;
	s24 =	rddreg [dreg:$0x7];
	s25 =	simm.s32 $0x5  }
0x12: {  	[tilespmem:s23], [sflag:$0x5] =	stream.linear.gather [hbm4b:s24+s23], $0x1000, $0x38;
	[tilespmem:$0x12080] =	vst v63  }
0x13: {  	_ =	swait.ge [sflag:s25], $0x1000  }
0x14: {  	[sflag:s25] =	ssyncset.done $0x0  }
0x15: {  	s3 =	simm.s32 $0x1000;
	s28 =	rddreg [dreg:$0x8];
	[sflag:s25] =	ssyncadd.s32 $0xFFFFF000  }
0x16: {  	[tilespmem:s3], [sflag:$0x5] =	stream.linear.gather [hbm4b:s28+s23], $0x1000, $0x38;
	[tilespmem:$0x12080] =	vst v63  }
0x17: {  	_ =	swait.ge [sflag:s25], $0x1000  }
0x18: {  	[sflag:s25] =	ssyncset.done $0x0  }
0x19: {  	[sflag:s25] =	ssyncadd.s32 $0xFFFFF000  }
0x1a: {  	s30 =	simm.s32 $0x2000;
	s29 =	rddreg [dreg:$0x1]  }
0x1b: {  	[tilespmem:s30], [sflag:$0x5] =	stream.linear.gather [hbm4b:s29+s23], $0x80, $0x38;
	[tilespmem:$0x12080] =	vst v63  }
0x1c: {  	_ =	swait.ge [sflag:s25], $0x80  }
0x1d: {  	[sflag:s25] =	ssyncset.done $0x0  }
0x1e: {  	s31 =	simm.s32 $0x20;
	[sflag:s25] =	ssyncadd.s32 $0xFFFFFF80  }
0x1f: {  	v1 =	vld [tilespmem:s31+$0x10];
	_ =	sdelay $0x1  }
0x20: {  	v0 =	vld [tilespmem:$0x2000]  }
0x21: {  	v2 =	vld [tilespmem:s31+$0xFFFFFFE0]  }
0x22: {  	v3 =	vld [tilespmem:s31+$0xFFFFFFF0]  }
0x23: {  	s4 =	simm.s32 $0x60;
	v4 =	vld [tilespmem:s31+$0x0];
	v1 =	vadd.f32 $1.000000000e+00, v1  }
0x24: {  	v6 =	vld [tilespmem:s4+$0xFFFFFFF0]  }
0x25: {  	s0 =	simm.s32 $0x1020;
	[tilespmem:s31+$0x10] =	vst v1;
	v1 =	vld [tilespmem:s4+$0x10]  }
0x26: {  	v5 =	vld [tilespmem:s0+$0x10]  }
0x27: {  	s2 =	simm.s32 $0xA0;
	v7 =	vld [tilespmem:s4+$0x0];
	v2 =	vadd.f32 $1.000000000e+00, v2  }
0x28: {  	v9 =	vld [tilespmem:s2+$0x10];
	v3 =	vadd.f32 $1.000000000e+00, v3  }
0x29: {  	v4 =	vadd.f32 $1.000000000e+00, v4;
	[tilespmem:s31+$0xFFFFFFE0] =	vst v2;
	v2 =	vld [tilespmem:s4+$0xFFFFFFE0]  }
0x2a: {  	[tilespmem:s31+$0xFFFFFFF0] =	vst v3;
	v3 =	vld [tilespmem:s0+$0xFFFFFFE0]  }
0x2b: {  	[tilespmem:s31+$0x0] =	vst v4;
	v8 =	vld [tilespmem:s0+$0xFFFFFFF0];
	v1 =	vadd.f32 $1.000000000e+00, v1;
	(erf) = vrcp.f32 v5  }
0x2c: {  	v5 =	vld [tilespmem:s0+$0x0]  }
0x2d: {  	s3 =	simm.s32 $0x1060;
	[tilespmem:s4+$0x10] =	vst v1  }
0x2e: {  	v6 =	vadd.f32 $1.000000000e+00, v6;
	v10 =	vld [tilespmem:s3+$0x10]  }
0x2f: {  	v11 =	vld [tilespmem:s2+$0xFFFFFFF0];
	v2 =	vadd.f32 $1.000000000e+00, v2;
	(erf) = vrcp.f32 v3  }
0x30: {  	[tilespmem:s4+$0xFFFFFFF0] =	vst v6;
	v6 =	vadd.f32 $1.000000000e+00, v9;
	v1 =	vld [tilespmem:s2+$0x0];
	(erf) = vrcp.f32 v8  }
0x31: {  	v4 =	vld [tilespmem:s2+$0xFFFFFFE0];
	v3 =	vadd.f32 $1.000000000e+00, v7;
	[tilespmem:s4+$0xFFFFFFE0] =	vst v2;
	(erf) = vrcp.f32 v5  }
0x32: {  	v2 =	vld [tilespmem:s3+$0xFFFFFFE0]  }
0x33: {  	[tilespmem:s4+$0x0] =	vst v3;
	v3 =	vld [tilespmem:s3+$0xFFFFFFF0];
	(erf) = vrcp.f32 v10  }
0x34: {  	s5 =	simm.s32 $0xE0;
	s1 =	simm.s32 $0x1060;
	[tilespmem:s2+$0x10] =	vst v6;
	v7 =	vadd.f32 $1.000000000e+00, v11;
	s4 =	simm.s32 $0x8;
	v5 =	vld [tilespmem:s3+$0x0];
	v6 =	vpop (erf)  }
.LBB2_2:
0x35: {  	v8 =	vld [tilespmem:s5+$0x10];
	v1 =	vadd.f32 $1.000000000e+00, v1;
	s3 =	sadd.s32 $0x40, s3;
	[tilespmem:s0+$0x10] =	vst v6  }
0x36: {  	s4 =	sadd.s32 $0x4, s4;
	v4 =	vadd.f32 $1.000000000e+00, v4;
	[tilespmem:s2+$0xFFFFFFF0] =	vst v7;
	v6 =	vld [tilespmem:s3+$0x10]  }
0x37: {  	p0 =	slt.u32 s4, $0xFC;
	v7 =	vld [tilespmem:s5+$0xFFFFFFF0];
	[tilespmem:s2+$0x0] =	vst v1;
	(erf) = vrcp.f32 v2  }
.Ltmp0:
0x38: {  	v1 =	vld [tilespmem:s5+$0x0];
	[tilespmem:s2+$0xFFFFFFE0] =	vst v4;
	(erf) = vrcp.f32 v3;
	v2 =	vpop (erf);
	s2 =	smov.u32 s5;
	(pc) =	sbr.rel @p0 .LBB2_2-.Ltmp0, $4  }
0x39: {  	v4 =	vld [tilespmem:s5+$0xFFFFFFE0];
	(erf) = vrcp.f32 v5;
	[tilespmem:s0+$0xFFFFFFE0] =	vst v2;
	v3 =	vpop (erf)  }
0x3a: {  	v5 =	vadd.f32 $1.000000000e+00, v8;
	v2 =	vld [tilespmem:s3+$0xFFFFFFE0];
	[tilespmem:s0+$0xFFFFFFF0] =	vst v3;
	v8 =	vpop (erf)  }
0x3b: {  	v3 =	vld [tilespmem:s3+$0xFFFFFFF0];
	(erf) = vrcp.f32 v6;
	[tilespmem:s0+$0x0] =	vst v8;
	s0 =	smov.u32 s1;
	s1 =	smov.u32 s3  }
0x3c: {  	s5 =	sadd.s32 $0x40, s5;
	v7 =	vadd.f32 $1.000000000e+00, v7;
	[tilespmem:s2+$0x10] =	vst v5;
	v5 =	vld [tilespmem:s3+$0x0];
	v6 =	vpop (erf)  }
0x3d: {  	_ = 	snop  }
0x3e: {  	v4 =	vadd.f32 $1.000000000e+00, v4  }
0x3f: {  	s3 =	sadd.s32 $0x40, s3  }
0x40: {  	v1 =	vadd.f32 $1.000000000e+00, v1;
	v8 =	vld [tilespmem:s3+$0x10];
	[tilespmem:s2+$0xFFFFFFE0] =	vst v4  }
0x41: {  	[tilespmem:s2+$0xFFFFFFF0] =	vst v7;
	v4 =	vld [tilespmem:s3+$0xFFFFFFE0]  }
0x42: {  	[tilespmem:s2+$0x0] =	vst v1;
	(erf) = vrcp.f32 v2;
	v1 =	vld [tilespmem:s3+$0xFFFFFFF0]  }
0x43: {  	(erf) = vrcp.f32 v3  }
0x44: {  	v2 =	vld [tilespmem:s3+$0x0];
	(erf) = vrcp.f32 v5  }
0x45: {  	(erf) = vrcp.f32 v8  }
0x46: {  	(erf) = vrcp.f32 v4  }
0x47: {  	v3 =	vpop (erf);
	(erf) = vrcp.f32 v1;
	v1 =	vmul.f32 $1.442695020e+00, v0;
	_ =	sdelay $0x1  }
0x48: {  	v60 =	vpop (erf);
	(erf) = vrcp.f32 v2  }
0x49: {  	v2 =	vpop (erf);
	(erf) = vpow2.f32 v1  }
0x4a: {  	v1 =	vpop (erf)  }
0x4b: {  	v61 =	vpop (erf)  }
0x4c: {  	v62 =	vpop (erf)  }
0x4d: {  	v63 =	vpop (erf)  }
0x4e: {  	v9 =	vpop (erf)  }
0x4f: {  	v10 =	vpop (erf)  }
0x50: {  	v11 =	vpop (erf)  }
0x51: {  	v12 =	vpop (erf)  }
0x52: {  	v13 =	vpop (erf)  }
0x53: {  	v13 =	vmul.f32 v13, v13  }
0x54: {  	[tilespmem:s0+$0x10] =	vst v6  }
0x55: {  	[tilespmem:s0+$0xFFFFFFE0] =	vst v3;
	(erf) = vrcp.f32 v13  }
0x56: {  	[tilespmem:s0+$0xFFFFFFF0] =	vst v60  }
0x57: {  	[tilespmem:s0+$0x0] =	vst v2  }
0x58: {  	[tilespmem:s1+$0x10] =	vst v1  }
0x59: {  	[tilespmem:s1+$0xFFFFFFE0] =	vst v61  }
0x5a: {  	[tilespmem:s1+$0xFFFFFFF0] =	vst v62  }
0x5b: {  	[tilespmem:s1+$0x0] =	vst v63  }
0x5c: {  	[tilespmem:s3+$0x10] =	vst v9  }
0x5d: {  	v1 =	vadd.f32 $9.189385170e-01, v0;
	[tilespmem:s3+$0xFFFFFFE0] =	vst v10  }
0x5e: {  	[tilespmem:s3+$0xFFFFFFF0] =	vst v11;
	v0 =	vpop (erf)  }
0x5f: {  	s28 =	simm.s32 $0x0;
	v1 =	vsub.f32 $0.0e+00, v1;
	[tilespmem:s3+$0x0] =	vst v12;
	v0 =	vmul.f32 $-5.000000000e-01, v0  }
.LBB2_4:
0x60: {  	s30 =	sshll.u32 s28, $0x11;
	s0 =	rddreg [dreg:$0x5]  }
0x61: {  	s31 =	sor.u32 s0, s30  }
0x62: {  	s10 =	rddreg [dreg:$0x2];
	s29 =	sor.u32 $0x40, s31  }
0x63: {  	s1 =	simm.s32 $0x6080;
	s11 =	simm.s32 $0x1;
	s0 =	sadd.s32 s10, s29  }
0x64: {  	[tilespmem:s1], [sflag:$0x2] =	stream.strided.gather [hbm4b:s0+s12], $0x4000, s13, s12, $0x38;
	[tilespmem:$0x12080] =	vst v63  }
0x65: {  	_ =	swait.ge [sflag:s11], $0x4000  }
0x66: {  	p0 =	seq.s32 s28, $0x0;
	[sflag:s11] =	ssyncset.done $0x0  }
0x67: {  	s0 =	simm.s32 @!p0 $0x3;
	[sflag:s11] =	ssyncadd.s32 $0xFFFFC000  }
0x68: {  	_ =	swait.ge @!p0 [sflag:s0], $0x4000  }
0x69: {  	s14 =	sand.u32 $0x60, s26;
	s3 =	sand.u32 $0x3E00, s26;
	[sflag:s0] =	ssyncset.done @!p0 $0x0  }
0x6a: {  	s2 =	sor.u32 s14, s3;
	s4 =	sor.u32 $0x10, s14;
	[sflag:s0] =	ssyncadd.s32 @!p0 $0xFFFFC000  }
0x6b: {  	s15 =	sor.u32 s3, s4;
	v2 =	vld [tilespmem:s2+$0x2180]  }
0x6c: {  	v3 =	vld [tilespmem:s15+$0x2180]  }
0x6d: {  	s17 =	simm.s32 $0x0;
	v4 =	vld [tilespmem:s15+$0x2100]  }
0x6e: {  	s18 =	sand.u32 $0xF80, s26;
	v9 =	vld [tilespmem:s17+$0x0]  }
0x6f: {  	s3 =	sor.u32 s18, s4;
	v5 =	vld [tilespmem:s2+$0x2100]  }
0x70: {  	v7 =	vld [tilespmem:s3+$0x0];
	v2 =	vcvt.s32.f32 v2  }
0x71: {  	v3 =	vcvt.s32.f32 v3  }
0x72: {  	v6 =	vld [tilespmem:s2+$0x2080];
	v4 =	vcvt.s32.f32 v4;
	v2 =	vmul.f32 $3.174603360e-02, v2  }
0x73: {  	v3 =	vmul.f32 $3.174603360e-02, v3  }
0x74: {  	v5 =	vcvt.s32.f32 v5;
	v4 =	vmul.f32 $3.174603360e-02, v4;
	v2 =	vsub.f32 v2, v9  }
0x75: {  	v3 =	vsub.f32 v3, v7  }
0x76: {  	v8 =	vld [tilespmem:s15+$0x2080];
	v5 =	vmul.f32 $3.174603360e-02, v5;
	v4 =	vsub.f32 v4, v7;
	v2 =	vmul.f32 v2, v2  }
0x77: {  	v6 =	vcvt.s32.f32 v6;
	v3 =	vmul.f32 v3, v3  }
0x78: {  	v5 =	vsub.f32 v5, v9;
	v4 =	vmul.f32 v4, v4;
	v2 =	vmul.f32 v2, v0  }
0x79: {  	v6 =	vmul.f32 $3.174603360e-02, v6;
	v3 =	vmul.f32 v3, v0  }
0x7a: {  	v5 =	vmul.f32 v5, v5;
	v4 =	vmul.f32 v4, v0;
	v2 =	vadd.f32 v2, v1  }
0x7b: {  	v8 =	vcvt.s32.f32 v8;
	v6 =	vsub.f32 v6, v9;
	v3 =	vadd.f32 v3, v1  }
0x7c: {  	v5 =	vmul.f32 v5, v0;
	v4 =	vadd.f32 v4, v1;
	v2 =	vmul.f32 $1.442695020e+00, v2  }
0x7d: {  	v6 =	vmul.f32 v6, v6;
	v3 =	vmul.f32 $1.442695020e+00, v3  }
0x7e: {  	v5 =	vadd.f32 v5, v1;
	v4 =	vmul.f32 $1.442695020e+00, v4;
	(erf) = vpow2.f32 v2  }
0x7f: {  	v2 =	vmul.f32 $3.174603360e-02, v8;
	(erf) = vpow2.f32 v3  }
0x80: {  	s20 =	simm.s32 $0x20;
	v3 =	vmul.f32 $1.442695020e+00, v5;
	v5 =	vmul.f32 v6, v0  }
0x81: {  	s5 =	simm.s32 $0x80;
	s8 =	sand.u32 $0x60, s20  }
0x82: {  	s5 =	sand.u32 $0x3E00, s5;
	s9 =	sor.u32 $0x10, s8;
	v2 =	vsub.f32 v2, v7;
	(erf) = vpow2.f32 v4;
	v4 =	vadd.f32 v5, v1  }
0x83: {  	s7 =	sor.u32 s8, s5;
	s5 =	sor.u32 s5, s9;
	(erf) = vpow2.f32 v3  }
0x84: {  	v10 =	vld [tilespmem:s5+$0x2100];
	v2 =	vmul.f32 v2, v2;
	v3 =	vmul.f32 $1.442695020e+00, v4  }
0x85: {  	v8 =	vld [tilespmem:s5+$0x2180]  }
0x86: {  	s4 =	sand.u32 $0xF80, s20;
	v12 =	vld [tilespmem:s7+$0x2080];
	v2 =	vmul.f32 v2, v0  }
0x87: {  	s9 =	sor.u32 s4, s9;
	v6 =	vld [tilespmem:s7+$0x2180]  }
0x88: {  	v11 =	vld [tilespmem:s9+$0x0];
	(erf) = vpow2.f32 v3;
	v2 =	vadd.f32 v2, v1;
	v3 =	vpop (erf)  }
0x89: {  	v10 =	vcvt.s32.f32 v10;
	v5 =	vld [tilespmem:s7+$0x2100];
	v3 =	vmul.f32 $1.442695020e+00, v3  }
0x8a: {  	s22 =	simm.s32 $0x20;
	v8 =	vcvt.s32.f32 v8;
	v2 =	vmul.f32 $1.442695020e+00, v2;
	v4 =	vpop (erf)  }
0x8b: {  	(erf) = vpow2.f32 v3;
	v3 =	vmul.f32 $1.442695020e+00, v4;
	v4 =	vld [tilespmem:s22+$0x0]  }
0x8c: {  	v6 =	vcvt.s32.f32 v6;
	v8 =	vmul.f32 $3.174603360e-02, v8  }
0x8d: {  	v12 =	vcvt.s32.f32 v12;
	(erf) = vpow2.f32 v2  }
0x8e: {  	v5 =	vcvt.s32.f32 v5;
	v6 =	vmul.f32 $3.174603360e-02, v6;
	v8 =	vsub.f32 v8, v11  }
0x8f: {  	v10 =	vmul.f32 $3.174603360e-02, v10;
	v12 =	vmul.f32 $3.174603360e-02, v12  }
0x90: {  	v5 =	vmul.f32 $3.174603360e-02, v5;
	v8 =	vmul.f32 v8, v8;
	v2 =	vpop (erf);
	v6 =	vsub.f32 v6, v4  }
0x91: {  	(erf) = vpow2.f32 v3;
	v13 =	vpop (erf);
	v2 =	vmul.f32 $1.442695020e+00, v2  }
0x92: {  	v3 =	vmul.f32 $1.442695020e+00, v13;
	v13 =	vld [tilespmem:s5+$0x2080];
	v6 =	vmul.f32 v6, v6  }
0x93: {  	v10 =	vsub.f32 v10, v11;
	v5 =	vsub.f32 v5, v4;
	(erf) = vpow2.f32 v2  }
0x94: {  	v14 =	vpop (erf);
	v2 =	vmul.f32 v8, v0;
	v8 =	vsub.f32 v12, v4;
	v6 =	vmul.f32 v6, v0  }
0x95: {  	v10 =	vmul.f32 v10, v10;
	(erf) = vpow2.f32 v3;
	v15 =	vpop (erf)  }
0x96: {  	v5 =	vmul.f32 v5, v5;
	v8 =	vmul.f32 v8, v8;
	v16 =	vpop (erf);
	v6 =	vadd.f32 v6, v1  }
0x97: {  	v13 =	vcvt.s32.f32 v13;
	v16 =	vmul.f32 $1.442695020e+00, v16  }
0x98: {  	v3 =	vmul.f32 $1.442695020e+00, v6;
	v6 =	vmul.f32 v10, v0  }
0x99: {  	v2 =	vadd.f32 v2, v1;
	v5 =	vmul.f32 v5, v0;
	(erf) = vpow2.f32 v16  }
0x9a: {  	s23 =	simm.s32 $0x40;
	s16 =	simm.s32 $0x100;
	v8 =	vmul.f32 v8, v0;
	v6 =	vadd.f32 v6, v1;
	(erf) = vpow2.f32 v3  }
0x9b: {  	s24 =	sand.u32 $0x60, s23;
	s10 =	sand.u32 $0x3E00, s16;
	v5 =	vadd.f32 v5, v1;
	v10 =	vmul.f32 $1.442695020e+00, v2;
	v2 =	vld [tilespmem:s3+$0x1000];
	v3 =	vmul.f32 $3.174603360e-02, v13  }
0x9c: {  	s1 =	sor.u32 s24, s10;
	v14 =	vmul.f32 $1.442695020e+00, v14;
	v8 =	vadd.f32 v8, v1;
	v6 =	vmul.f32 $1.442695020e+00, v6  }
0x9d: {  	v18 =	vld [tilespmem:s1+$0x2080];
	v5 =	vmul.f32 $1.442695020e+00, v5;
	(erf) = vpow2.f32 v10;
	v3 =	vsub.f32 v3, v11  }
0x9e: {  	(erf) = vpow2.f32 v14;
	v14 =	vld [tilespmem:s1+$0x2100]  }
0x9f: {  	v8 =	vmul.f32 $1.442695020e+00, v8;
	v10 =	vpop (erf);
	v12 =	vmul.f32 v3, v3  }
0xa0: {  	s14 =	sor.u32 $0x10, s24;
	v10 =	vmul.f32 v10, v2;
	(erf) = vpow2.f32 v6;
	v6 =	vpop (erf)  }
0xa1: {  	v3 =	vld [tilespmem:s17+$0x1000];
	s17 =	sor.u32 s10, s14;
	(erf) = vpow2.f32 v5;
	v12 =	vmul.f32 v12, v0;
	v5 =	vpop (erf)  }
0xa2: {  	s11 =	sand.u32 $0x3, s26;
	v18 =	vcvt.s32.f32 v18;
	v17 =	vld [tilespmem:s17+$0x2180];
	v6 =	vmul.f32 v6, v2;
	v13 =	vpop (erf)  }
0xa3: {  	s25 =	sshll.u32 s11, $0x5;
	[tilespmem:s15+$0xA180] =	vst v10;
	v14 =	vcvt.s32.f32 v14;
	v10 =	vadd.f32 v12, v1;
	(erf) = vpow2.f32 v8;
	v16 =	vpop (erf)  }
0xa4: {  	s11 =	sadd.s32 $0x0, s25;
	v8 =	vld [tilespmem:s17+$0x2100];
	v12 =	vmul.f32 v13, v2;
	[tilespmem:s15+$0xA100] =	vst v6;
	v6 =	vmul.f32 $1.442695020e+00, v16  }
0xa5: {  	v18 =	vmul.f32 $3.174603360e-02, v18;
	s3 =	sadd.s32 $0x10, s11;
	v13 =	vld [tilespmem:s1+$0x2180];
	v10 =	vmul.f32 $1.442695020e+00, v10  }
0xa6: {  	s0 =	sor.u32 $0x180, s3;
	v5 =	vmul.f32 v5, v3;
	v14 =	vmul.f32 $3.174603360e-02, v14;
	[tilespmem:s15+$0xA080] =	vst v12  }
0xa7: {  	s4 =	sand.u32 $0xF80, s23;
	v16 =	vpop (erf);
	v17 =	vcvt.s32.f32 v17;
	v12 =	vmul.f32 v15, v3;
	v15 =	vld [tilespmem:s0+$0x2080]  }
0xa8: {  	s10 =	sor.u32 s4, s14;
	v16 =	vmul.f32 $1.442695020e+00, v16;
	(erf) = vpow2.f32 v6;
	v6 =	vpop (erf)  }
0xa9: {  	s3 =	simm.s32 $0x40;
	v21 =	vcvt.s32.f32 v8;
	v8 =	vld [tilespmem:s10+$0x0];
	(erf) = vpow2.f32 v10;
	v10 =	vpop (erf)  }
0xaa: {  	v13 =	vcvt.s32.f32 v13;
	v19 =	vmul.f32 v6, v3;
	v6 =	vld [tilespmem:s3+$0x0];
	v20 =	vpop (erf)  }
0xab: {  	(erf) = vpow2.f32 v16;
	v16 =	vmul.f32 $1.442695020e+00, v20;
	v20 =	vld [tilespmem:s17+$0x2080]  }
0xac: {  	[tilespmem:s2+$0xA100] =	vst v5;
	v5 =	vmul.f32 $3.174603360e-02, v17;
	v15 =	vcvt.s32.f32 v15  }
0xad: {  	v21 =	vmul.f32 $3.174603360e-02, v21;
	v13 =	vmul.f32 $3.174603360e-02, v13;
	v22 =	vpop (erf)  }
0xae: {  	v17 =	vmul.f32 $1.442695020e+00, v22;
	v22 =	vsub.f32 v5, v8;
	v15 =	vmul.f32 $3.174603360e-02, v15  }
0xaf: {  	[tilespmem:s2+$0xA180] =	vst v12;
	v10 =	vmul.f32 $1.442695020e+00, v10;
	v13 =	vsub.f32 v13, v6;
	v12 =	vsub.f32 v14, v6  }
0xb0: {  	[tilespmem:s2+$0xA080] =	vst v19;
	s2 =	sor.u32 $0x180, s11;
	v7 =	vsub.f32 v15, v7;
	v15 =	vmul.f32 v22, v22;
	v14 =	vcvt.s32.f32 v20  }
0xb1: {  	v19 =	vld [tilespmem:s2+$0x2080];
	v13 =	vmul.f32 v13, v13;
	v20 =	vsub.f32 v21, v8;
	v21 =	vpop (erf);
	v12 =	vmul.f32 v12, v12  }
0xb2: {  	v5 =	vpop (erf);
	(erf) = vpow2.f32 v10;
	v7 =	vmul.f32 v7, v7  }
0xb3: {  	v15 =	vmul.f32 v15, v0;
	v13 =	vmul.f32 v13, v0  }
0xb4: {  	v10 =	vmul.f32 v20, v20;
	v20 =	vmul.f32 $1.442695020e+00, v5  }
0xb5: {  	v18 =	vsub.f32 v18, v6;
	v14 =	vmul.f32 $3.174603360e-02, v14;
	(erf) = vpow2.f32 v16  }
0xb6: {  	v5 =	vld [tilespmem:s9+$0x1000];
	v16 =	vcvt.s32.f32 v19;
	v12 =	vmul.f32 v12, v0;
	v13 =	vadd.f32 v13, v1  }
0xb7: {  	(erf) = vpow2.f32 v20;
	v14 =	vsub.f32 v14, v8;
	v10 =	vmul.f32 v10, v0  }
0xb8: {  	v20 =	vmul.f32 v7, v0;
	v7 =	vadd.f32 v15, v1;
	v15 =	vmul.f32 v18, v18  }
0xb9: {  	v12 =	vadd.f32 v12, v1;
	v13 =	vmul.f32 $1.442695020e+00, v13;
	v14 =	vmul.f32 v14, v14  }
0xba: {  	v19 =	vpop (erf);
	v10 =	vadd.f32 v10, v1;
	v22 =	vmul.f32 $1.442695020e+00, v7;
	v15 =	vmul.f32 v15, v0  }
0xbb: {  	s6 =	simm.s32 $0x60;
	v7 =	vld [tilespmem:s22+$0x1000];
	v12 =	vmul.f32 $1.442695020e+00, v12;
	v19 =	vmul.f32 v19, v5  }
0xbc: {  	s20 =	sand.u32 $0x60, s6;
	s15 =	simm.s32 $0x180;
	(erf) = vpow2.f32 v13;
	v10 =	vmul.f32 $1.442695020e+00, v10;
	v15 =	vadd.f32 v15, v1  }
0xbd: {  	s18 =	sor.u32 $0x10, s20;
	s22 =	sand.u32 $0x3E00, s15;
	v14 =	vmul.f32 v14, v0;
	(erf) = vpow2.f32 v22  }
0xbe: {  	s11 =	sor.u32 s22, s18;
	v18 =	vpop (erf);
	(erf) = vpow2.f32 v17;
	v15 =	vmul.f32 $1.442695020e+00, v15  }
0xbf: {  	v22 =	vld [tilespmem:s11+$0x2100];
	v17 =	vadd.f32 v20, v1;
	(erf) = vpow2.f32 v10;
	v10 =	vmul.f32 $3.174603360e-02, v16  }
0xc0: {  	v14 =	vadd.f32 v14, v1;
	v13 =	vmul.f32 v18, v5;
	v16 =	vpop (erf);
	v18 =	vmul.f32 v21, v7;
	v21 =	vld [tilespmem:s11+$0x2180]  }
0xc1: {  	s9 =	sor.u32 s20, s22;
	(erf) = vpow2.f32 v12;
	v12 =	vmul.f32 v16, v7;
	v16 =	vpop (erf);
	v9 =	vsub.f32 v10, v9  }
0xc2: {  	v14 =	vmul.f32 $1.442695020e+00, v14;
	[tilespmem:s5+$0xA100] =	vst v13;
	v13 =	vld [tilespmem:s9+$0x2080];
	v10 =	vmul.f32 v16, v5  }
0xc3: {  	v16 =	vmul.f32 $1.442695020e+00, v17;
	v17 =	vld [tilespmem:s9+$0x2100];
	v9 =	vmul.f32 v9, v9  }
0xc4: {  	(erf) = vpow2.f32 v15;
	v22 =	vcvt.s32.f32 v22  }
0xc5: {  	s23 =	simm.s32 $0x1;
	v21 =	vcvt.s32.f32 v21;
	v15 =	vpop (erf);
	v9 =	vmul.f32 v9, v0  }
0xc6: {  	s24 =	sand.u32 $0x3, s23;
	[tilespmem:s5+$0xA180] =	vst v19;
	v20 =	vld [tilespmem:s9+$0x2180];
	(erf) = vpow2.f32 v16;
	v15 =	vmul.f32 $1.442695020e+00, v15  }
0xc7: {  	s8 =	sshll.u32 s24, $0x5;
	v24 =	vld [tilespmem:s11+$0x2080];
	[tilespmem:s5+$0xA080] =	vst v10;
	s5 =	simm.s32 $0x60;
	v19 =	vpop (erf);
	v25 =	vcvt.s32.f32 v13;
	v21 =	vmul.f32 $3.174603360e-02, v21  }
0xc8: {  	s25 =	sadd.s32 $0x80, s8;
	v10 =	vld [tilespmem:s5+$0x0];
	v16 =	vpop (erf);
	v19 =	vmul.f32 $1.442695020e+00, v19;
	v17 =	vcvt.s32.f32 v17  }
0xc9: {  	s8 =	sadd.s32 $0x10, s25;
	(erf) = vpow2.f32 v15;
	v16 =	vmul.f32 v16, v7  }
0xca: {  	s8 =	sor.u32 $0x180, s8;
	(erf) = vpow2.f32 v14;
	v17 =	vmul.f32 $3.174603360e-02, v17;
	v15 =	vpop (erf)  }
0xcb: {  	s4 =	sand.u32 $0xF80, s6;
	v14 =	vld [tilespmem:s8+$0x2080];
	v23 =	vpop (erf);
	(erf) = vpow2.f32 v19;
	v19 =	vcvt.s32.f32 v20  }
0xcc: {  	s24 =	sor.u32 s4, s18;
	v59 =	vmul.f32 $3.174603360e-02, v25;
	v20 =	vmul.f32 $1.442695020e+00, v23;
	v23 =	vadd.f32 v9, v1  }
0xcd: {  	[tilespmem:s7+$0xA100] =	vst v12;
	v12 =	vsub.f32 v17, v10;
	v17 =	vcvt.s32.f32 v24;
	v9 =	vld [tilespmem:s24+$0x0];
	v13 =	vmul.f32 $3.174603360e-02, v19  }
0xce: {  	v19 =	vmul.f32 $3.174603360e-02, v22;
	v22 =	vmul.f32 $1.442695020e+00, v23  }
0xcf: {  	v15 =	vmul.f32 $1.442695020e+00, v15;
	v12 =	vmul.f32 v12, v12;
	v13 =	vsub.f32 v13, v10  }
0xd0: {  	v26 =	vcvt.s32.f32 v14;
	v23 =	vpop (erf);
	(erf) = vpow2.f32 v22  }
0xd1: {  	v17 =	vmul.f32 $3.174603360e-02, v17;
	v61 =	vmul.f32 v12, v0  }
0xd2: {  	[tilespmem:s7+$0xA080] =	vst v16;
	v22 =	vmul.f32 $3.174603360e-02, v26;
	v14 =	vmul.f32 $1.442695020e+00, v23;
	v16 =	vsub.f32 v19, v9;
	v19 =	vpop (erf)  }
0xd3: {  	[tilespmem:s7+$0xA180] =	vst v18;
	s7 =	sor.u32 $0x180, s25;
	v18 =	vmul.f32 v13, v13;
	(erf) = vpow2.f32 v15;
	v13 =	vpop (erf)  }
0xd4: {  	v23 =	vld [tilespmem:s7+$0x2080];
	v21 =	vsub.f32 v21, v9;
	v19 =	vmul.f32 $1.442695020e+00, v19;
	(erf) = vpow2.f32 v20;
	v60 =	vpop (erf)  }
0xd5: {  	v17 =	vsub.f32 v17, v9;
	v16 =	vmul.f32 v16, v16;
	v25 =	vmul.f32 $1.442695020e+00, v60  }
0xd6: {  	v20 =	vsub.f32 v22, v11;
	v18 =	vmul.f32 v18, v0;
	v21 =	vmul.f32 v21, v21  }
0xd7: {  	v11 =	vld [tilespmem:s10+$0x1000];
	v16 =	vmul.f32 v16, v0;
	(erf) = vpow2.f32 v25  }
0xd8: {  	v62 =	vmul.f32 v17, v17;
	v20 =	vmul.f32 v20, v20;
	v18 =	vadd.f32 v18, v1;
	v22 =	vpop (erf)  }
0xd9: {  	v21 =	vmul.f32 v21, v0;
	v15 =	vcvt.s32.f32 v23;
	v16 =	vadd.f32 v16, v1;
	v23 =	vpop (erf)  }
0xda: {  	v12 =	vld [tilespmem:s3+$0x1000];
	v20 =	vmul.f32 v20, v0;
	v23 =	vmul.f32 $1.442695020e+00, v23  }
0xdb: {  	v24 =	vsub.f32 v59, v10;
	v18 =	vmul.f32 $1.442695020e+00, v18;
	(erf) = vpow2.f32 v19  }
0xdc: {  	v22 =	vmul.f32 v22, v11;
	v21 =	vadd.f32 v21, v1;
	(erf) = vpow2.f32 v23  }
0xdd: {  	v19 =	vmul.f32 v24, v24;
	v17 =	vmul.f32 $1.442695020e+00, v16;
	v16 =	vpop (erf)  }
0xde: {  	v23 =	vmul.f32 $1.442695020e+00, v21;
	v63 =	vmul.f32 v16, v11;
	v16 =	vpop (erf)  }
0xdf: {  	s14 =	simm.s32 $0x2;
	[tilespmem:s17+$0xA180] =	vst v22;
	v21 =	vadd.f32 v61, v1;
	(erf) = vpow2.f32 v18;
	v16 =	vmul.f32 v16, v12  }
0xe0: {  	s25 =	simm.s32 $0x180;
	s3 =	simm.s32 $0x6;
	s10 =	simm.s32 $0x80;
	v22 =	vmul.f32 v62, v0;
	v18 =	vadd.f32 v20, v1;
	(erf) = vpow2.f32 v23;
	[tilespmem:s17+$0xA100] =	vst v63;
	v20 =	vpop (erf)  }
.LBB2_5:
0xe1: {  	s4 =	sand.u32 $0x60, s10;
	v21 =	vmul.f32 $1.442695020e+00, v21;
	s15 =	sadd.s32 $0x80, s15;
	s20 =	sand.u32 $0x3, s14;
	[tilespmem:s1+$0xA100] =	vst v16;
	(erf) = vpow2.f32 v14  }
0xe2: {  	s18 =	sand.u32 $0xF80, s10;
	v14 =	vmul.f32 v19, v0;
	v20 =	vmul.f32 v20, v11;
	s6 =	sand.u32 $0x3E00, s15;
	s22 =	sor.u32 $0x10, s4;
	v16 =	vadd.f32 v22, v1  }
0xe3: {  	v15 =	vmul.f32 $3.174603360e-02, v15;
	s23 =	sor.u32 s4, s6;
	s18 =	sor.u32 s18, s22;
	s6 =	sor.u32 s6, s22;
	(erf) = vpow2.f32 v17  }
0xe4: {  	s3 =	sadd.s32 $0x2, s3;
	v18 =	vmul.f32 $1.442695020e+00, v18;
	v14 =	vadd.f32 v14, v1;
	s4 =	sshll.u32 s20, $0x5;
	v17 =	vld [tilespmem:s18+$0x0];
	(erf) = vpow2.f32 v21;
	[tilespmem:s17+$0xA080] =	vst v20;
	v19 =	vpop (erf);
	s17 =	smov.u32 s11  }
0xe5: {  	v13 =	vmul.f32 v13, v12;
	p1 =	slt.u32 s3, $0xFE;
	v15 =	vsub.f32 v15, v4;
	s4 =	sadd.s32 s4, s16;
	s16 =	smov.u32 s25;
	v20 =	vld [tilespmem:s23+$0x2100];
	v19 =	vmul.f32 v19, v2;
	v2 =	vpop (erf)  }
0xe6: {  	v4 =	vmovc v6;
	v6 =	vmovc v10;
	s25 =	smov.u32 s15;
	s11 =	smov.u32 s6;
	v14 =	vmul.f32 $1.442695020e+00, v14;
	s22 =	sadd.s32 $0x10, s4;
	v21 =	vld [tilespmem:s23+$0x2180];
	v22 =	vmul.f32 v2, v3;
	v2 =	vmov v5  }
0xe7: {  	s14 =	sadd.s32 $0x1, s14;
	s20 =	sshra.s32 s15, $0x2;
	v10 =	vmul.f32 v15, v15;
	s6 =	sor.u32 $0x180, s22;
	v5 =	vmovc v11;
	v3 =	vmov v7;
	v7 =	vmov v12;
	v23 =	vld [tilespmem:s11+$0x2180];
	[tilespmem:s0+$0xA080] =	vst v19  }
0xe8: {  	s0 =	smov.u32 s8;
	s8 =	smov.u32 s6;
	(erf) = vpow2.f32 v14;
	v11 =	vpop (erf);
	v12 =	vld [tilespmem:s6+$0x2080];
	[tilespmem:s2+$0xA080] =	vst v22;
	s2 =	smov.u32 s7  }
0xe9: {  	v10 =	vmul.f32 v10, v0;
	v14 =	vld [tilespmem:s23+$0x2080];
	v11 =	vmul.f32 $1.442695020e+00, v11;
	v15 =	vpop (erf);
	[tilespmem:s1+$0xA180] =	vst v13  }
0xea: {  	v22 =	vmul.f32 $1.442695020e+00, v16;
	v13 =	vld [tilespmem:s11+$0x2100];
	v19 =	vpop (erf);
	(erf) = vpow2.f32 v18  }
0xeb: {  	v15 =	vmul.f32 $1.442695020e+00, v15;
	(erf) = vpow2.f32 v11;
	v11 =	vadd.f32 v10, v1  }
0xec: {  	v18 =	vmul.f32 v19, v7;
	(erf) = vpow2.f32 v22;
	v16 =	vpop (erf)  }
0xed: {  	v19 =	vcvt.s32.f32 v20;
	v10 =	vld [tilespmem:s20+$0x0];
	v20 =	vpop (erf);
	(erf) = vpow2.f32 v15  }
0xee: {  	v15 =	vcvt.s32.f32 v21;
	v20 =	vmul.f32 $1.442695020e+00, v20;
	[tilespmem:s1+$0xA080] =	vst v18;
	s1 =	smov.u32 s9;
	s9 =	smov.u32 s23  }
0xef: {  	s7 =	sor.u32 $0x180, s4;
	v21 =	vcvt.s32.f32 v23;
	v18 =	vld [tilespmem:s11+$0x2080];
	v13 =	vcvt.s32.f32 v13  }
0xf0: {  	v22 =	vcvt.s32.f32 v14;
	v14 =	vmul.f32 $3.174603360e-02, v15;
	v15 =	vld [tilespmem:s7+$0x2080]  }
0xf1: {  	v11 =	vmul.f32 $1.442695020e+00, v11;
	v26 =	vmul.f32 $3.174603360e-02, v13;
	v23 =	vpop (erf)  }
0xf2: {  	v19 =	vmul.f32 $3.174603360e-02, v19;
	v12 =	vcvt.s32.f32 v12;
	v27 =	vsub.f32 v14, v10  }
0xf3: {  	v21 =	vmul.f32 $3.174603360e-02, v21;
	v14 =	vmul.f32 $1.442695020e+00, v23;
	v25 =	vsub.f32 v26, v17;
	v23 =	vpop (erf)  }
0xf4: {  	v19 =	vsub.f32 v19, v10;
	v18 =	vcvt.s32.f32 v18;
	v13 =	vpop (erf);
	(erf) = vpow2.f32 v11  }
0xf5: {  	v12 =	vmul.f32 $3.174603360e-02, v12;
	v21 =	vsub.f32 v21, v17;
	v11 =	vmul.f32 v27, v27;
	v24 =	vpop (erf)  }
0xf6: {  	v16 =	vmul.f32 $1.442695020e+00, v16;
	v19 =	vmul.f32 v19, v19;
	v26 =	vpop (erf)  }
0xf7: {  	v22 =	vmul.f32 $3.174603360e-02, v22;
	v12 =	vsub.f32 v12, v8;
	v8 =	vmovc v9;
	v9 =	vmovc v17;
	v11 =	vmul.f32 v11, v0  }
0xf8: {  	v23 =	vmul.f32 $1.442695020e+00, v23;
	v17 =	vmul.f32 v25, v25  }
0xf9: {  	v24 =	vmul.f32 $1.442695020e+00, v24;
	v11 =	vadd.f32 v11, v1;
	(erf) = vpow2.f32 v16  }
0xfa: {  	v18 =	vmul.f32 $3.174603360e-02, v18;
	v16 =	vsub.f32 v22, v10;
	(erf) = vpow2.f32 v20  }
0xfb: {  	v21 =	vmul.f32 v21, v21;
	v20 =	vmul.f32 $1.442695020e+00, v11;
	v11 =	vld [tilespmem:s24+$0x1000];
	s24 =	smov.u32 s18  }
0xfc: {  	v15 =	vcvt.s32.f32 v15;
	v18 =	vsub.f32 v18, v9;
	(erf) = vpow2.f32 v24  }
0xfd: {  	v17 =	vmul.f32 v17, v0;
	v22 =	vmul.f32 v12, v12;
	v12 =	vpop (erf)  }
0xfe: {  	v24 =	vmul.f32 v19, v0;
	v19 =	vmul.f32 $1.442695020e+00, v12  }
0xff: {  	v21 =	vmul.f32 v21, v0;
	v22 =	vmul.f32 v22, v0;
	v12 =	vld [tilespmem:s5+$0x1000];
	s5 =	smov.u32 s20  }
0x100: {  	v17 =	vadd.f32 v17, v1;
	v25 =	vmul.f32 v26, v11;
	(erf) = vpow2.f32 v23  }
.Ltmp1:
0x101: {  	v23 =	vmul.f32 v18, v18;
	v18 =	vadd.f32 v21, v1;
	(erf) = vpow2.f32 v19;
	(pc) =	sbr.rel @p1 .LBB2_5-.Ltmp1, $4  }
0x102: {  	v17 =	vmul.f32 $1.442695020e+00, v17;
	v21 =	vadd.f32 v24, v1;
	v19 =	vmul.f32 v16, v16;
	[tilespmem:s17+$0xA180] =	vst v25;
	v16 =	vpop (erf)  }
0x103: {  	v24 =	vmul.f32 $1.442695020e+00, v18;
	v18 =	vadd.f32 v22, v1;
	v25 =	vmul.f32 v16, v11;
	v16 =	vpop (erf)  }
0x104: {  	(erf) = vpow2.f32 v20;
	v16 =	vmul.f32 v16, v12  }
0x105: {  	s10 =	sadd.s32 $0x20, s10;
	v22 =	vmul.f32 v23, v0;
	(erf) = vpow2.f32 v24;
	[tilespmem:s17+$0xA100] =	vst v25;
	v20 =	vpop (erf)  }
0x106: {  	_ = 	snop  }
0x107: {  	v15 =	vmul.f32 $3.174603360e-02, v15  }
0x108: {  	v19 =	vmul.f32 v19, v0  }
0x109: {  	v15 =	vsub.f32 v15, v4  }
0x10a: {  	v21 =	vmul.f32 $1.442695020e+00, v21;
	(erf) = vpow2.f32 v14;
	v19 =	vadd.f32 v19, v1  }
0x10b: {  	v18 =	vmul.f32 $1.442695020e+00, v18;
	v4 =	vpop (erf);
	v15 =	vmul.f32 v15, v15  }
0x10c: {  	(erf) = vpow2.f32 v17;
	v14 =	vpop (erf);
	v61 =	vmul.f32 $1.442695020e+00, v19  }
0x10d: {  	v62 =	vadd.f32 v22, v1;
	(erf) = vpow2.f32 v21;
	v15 =	vmul.f32 v15, v0;
	v63 =	vpop (erf)  }
0x10e: {  	(erf) = vpow2.f32 v61;
	v24 =	vmul.f32 $1.442695020e+00, v63  }
0x10f: {  	v19 =	vmul.f32 $1.442695020e+00, v62;
	v25 =	vpop (erf);
	(erf) = vpow2.f32 v18;
	v15 =	vadd.f32 v15, v1  }
0x110: {  	v26 =	vmul.f32 $1.442695020e+00, v25;
	(erf) = vpow2.f32 v24  }
0x111: {  	v15 =	vmul.f32 $1.442695020e+00, v15;
	(erf) = vpow2.f32 v19  }
0x112: {  	(erf) = vpow2.f32 v26  }
0x113: {  	(erf) = vpow2.f32 v15  }
0x114: {  	v27 =	vpop (erf)  }
0x115: {  	v28 =	vpop (erf)  }
0x116: {  	v29 =	vpop (erf)  }
0x117: {  	v30 =	vpop (erf)  }
0x118: {  	v20 =	vmul.f32 v20, v11;
	v31 =	vpop (erf)  }
0x119: {  	s3 =	sand.u32 $0x3, s14;
	v13 =	vmul.f32 v13, v12;
	v17 =	vmul.f32 $1.442695020e+00, v28;
	v32 =	vpop (erf)  }
0x11a: {  	s3 =	sshll.u32 s3, $0x5;
	v15 =	vmul.f32 v27, v12;
	v18 =	vmul.f32 $1.442695020e+00, v29;
	v23 =	vpop (erf)  }
0x11b: {  	[tilespmem:s1+$0xA100] =	vst v16;
	s4 =	sadd.s32 s3, s16;
	(erf) = vpow2.f32 v17;
	v33 =	vpop (erf);
	v34 =	vmul.f32 $1.442695020e+00, v23  }
0x11c: {  	[tilespmem:s17+$0xA080] =	vst v20;
	s3 =	sadd.s32 $0x10, s4;
	v35 =	vmul.f32 $1.442695020e+00, v31;
	(erf) = vpow2.f32 v18;
	v36 =	vpop (erf)  }
0x11d: {  	[tilespmem:s1+$0xA180] =	vst v13;
	s3 =	sor.u32 $0x180, s3;
	(erf) = vpow2.f32 v34;
	v37 =	vmul.f32 $1.442695020e+00, v36  }
0x11e: {  	s22 =	sor.u32 $0x180, s4;
	v38 =	vld [tilespmem:s3+$0x2080];
	[tilespmem:s1+$0xA080] =	vst v15;
	v39 =	vmul.f32 $1.442695020e+00, v30;
	(erf) = vpow2.f32 v35  }
0x11f: {  	v40 =	vld [tilespmem:s22+$0x2080];
	(erf) = vpow2.f32 v37  }
0x120: {  	v42 =	vld [tilespmem:s5+$0x1000];
	(erf) = vpow2.f32 v39  }
0x121: {  	v41 =	vld [tilespmem:s24+$0x1000];
	_ =	sdelay $0x1  }
0x122: {  	v17 =	vcvt.s32.f32 v38  }
0x123: {  	v18 =	vcvt.s32.f32 v40;
	v43 =	vpop (erf)  }
0x124: {  	v17 =	vmul.f32 $3.174603360e-02, v17;
	v50 =	vmul.f32 v32, v42;
	v44 =	vpop (erf)  }
0x125: {  	s23 =	sadd.s32 $0x1, s14;
	v16 =	vmul.f32 v33, v41;
	v18 =	vmul.f32 $3.174603360e-02, v18;
	v45 =	vpop (erf)  }
0x126: {  	s4 =	sand.u32 $0x3, s23;
	v8 =	vsub.f32 v17, v8;
	[tilespmem:s9+$0xA180] =	vst v50;
	v19 =	vmul.f32 v43, v41;
	v47 =	vpop (erf)  }
0x127: {  	s4 =	sshll.u32 s4, $0x5;
	[tilespmem:s11+$0xA180] =	vst v16;
	v6 =	vsub.f32 v18, v6;
	v46 =	vmul.f32 v44, v42;
	v49 =	vpop (erf)  }
0x128: {  	s4 =	sadd.s32 s4, s25;
	v8 =	vmul.f32 v8, v8;
	[tilespmem:s11+$0xA100] =	vst v19;
	v48 =	vmul.f32 v45, v41;
	v51 =	vpop (erf)  }
0x129: {  	s24 =	sadd.s32 $0x10, s4;
	v6 =	vmul.f32 v6, v6;
	[tilespmem:s9+$0xA100] =	vst v46;
	v52 =	vmul.f32 v51, v42  }
0x12a: {  	s5 =	sor.u32 $0x180, s24;
	v8 =	vmul.f32 v8, v0;
	[tilespmem:s11+$0xA080] =	vst v48  }
0x12b: {  	s4 =	sor.u32 $0x180, s4;
	v6 =	vmul.f32 v6, v0;
	v53 =	vld [tilespmem:s5+$0x2080];
	[tilespmem:s9+$0xA080] =	vst v52  }
0x12c: {  	v8 =	vadd.f32 v8, v1;
	v19 =	vld [tilespmem:s4+$0x2080]  }
0x12d: {  	v6 =	vadd.f32 v6, v1  }
0x12e: {  	v8 =	vmul.f32 $1.442695020e+00, v8  }
0x12f: {  	v6 =	vmul.f32 $1.442695020e+00, v6  }
0x130: {  	(erf) = vpow2.f32 v8;
	v54 =	vcvt.s32.f32 v53  }
0x131: {  	(erf) = vpow2.f32 v6;
	v55 =	vcvt.s32.f32 v19  }
0x132: {  	v8 =	vmul.f32 $3.174603360e-02, v54  }
0x133: {  	v6 =	vmul.f32 $3.174603360e-02, v55  }
0x134: {  	v8 =	vsub.f32 v8, v9  }
0x135: {  	v6 =	vsub.f32 v6, v10  }
0x136: {  	v8 =	vmul.f32 v8, v8  }
0x137: {  	v6 =	vmul.f32 v6, v6  }
0x138: {  	v8 =	vmul.f32 v8, v0  }
0x139: {  	v56 =	vpop (erf);
	v6 =	vmul.f32 v6, v0  }
0x13a: {  	v57 =	vpop (erf);
	v9 =	vmul.f32 $1.442695020e+00, v56;
	v8 =	vadd.f32 v8, v1  }
0x13b: {  	v10 =	vmul.f32 $1.442695020e+00, v57;
	v6 =	vadd.f32 v6, v1  }
0x13c: {  	(erf) = vpow2.f32 v9;
	v8 =	vmul.f32 $1.442695020e+00, v8  }
0x13d: {  	(erf) = vpow2.f32 v10;
	v6 =	vmul.f32 $1.442695020e+00, v6  }
0x13e: {  	(erf) = vpow2.f32 v8  }
0x13f: {  	(erf) = vpow2.f32 v6;
	_ =	sdelay $0x5  }
0x140: {  	v58 =	vpop (erf)  }
0x141: {  	v59 =	vpop (erf)  }
0x142: {  	v60 =	vpop (erf)  }
0x143: {  	v9 =	vmul.f32 $1.442695020e+00, v60;
	v61 =	vpop (erf)  }
0x144: {  	v10 =	vmul.f32 $1.442695020e+00, v61  }
0x145: {  	(erf) = vpow2.f32 v9  }
0x146: {  	(erf) = vpow2.f32 v10;
	_ =	sdelay $0x2  }
0x147: {  	v2 =	vmul.f32 v4, v2  }
0x148: {  	v3 =	vmul.f32 v14, v3  }
0x149: {  	[tilespmem:s0+$0xA080] =	vst v2;
	v2 =	vmul.f32 v47, v5  }
0x14a: {  	[tilespmem:s2+$0xA080] =	vst v3;
	v3 =	vmul.f32 v49, v7  }
0x14b: {  	[tilespmem:s8+$0xA080] =	vst v2;
	v2 =	vmul.f32 v58, v11  }
0x14c: {  	p1 =	sne.s32 s28, $0x7;
	[tilespmem:s7+$0xA080] =	vst v3;
	v3 =	vmul.f32 v59, v12;
	v62 =	vpop (erf)  }
.Ltmp2:
0x14d: {  	[tilespmem:s3+$0xA080] =	vst v2;
	v2 =	vmul.f32 v62, v41;
	v63 =	vpop (erf);
	(pc) =	sbr.rel @p1 .LBB2_8-.Ltmp2, $4  }
0x14e: {  	[tilespmem:s22+$0xA080] =	vst v3;
	v3 =	vmul.f32 v63, v42  }
0x14f: {  	[tilespmem:s5+$0xA080] =	vst v2  }
0x150: {  	s25 =	sadd.s32 s19, s31;
	s31 =	simm.s32 $0xA080;
	[tilespmem:s4+$0xA080] =	vst v3  }
0x151: {  	[hbm4b:s25+s12] =	stream.strided.scatter [tilespmem:s31], [sflag:$0x3], $0x4000, s13, s12, $0x38;
	[tilespmem:$0x12080] =	vst v63  }
.Ltmp3:
0x152: {  	(pc) =	sbr.rel .LBB2_9-.Ltmp3, $4  }
0x153: {  	_ = 	snop  }
0x154: {  	_ =	swait.ge [sflag:s21], $0x4000  }
0x155: {  	[sflag:s21] =	ssyncset.done $0x0  }
0x156: {  	[sflag:s21] =	ssyncadd.s32 $0xFFFFC000  }
.LBB2_8:
0x157: {  	s0 =	rddreg [dreg:$0x9]  }
.Ltmp4:
0x158: {  	s1 =	simm.s32 $0x2080;
	s0 =	sadd.s32 s30, s0;
	(pc) =	sbr.rel @p0 .LBB2_10-.Ltmp4, $4  }
0x159: {  	[tilespmem:s1], [sflag:$0x1] =	stream.strided.gather [hbm4b:s0+s12], $0x4000, s13, s12, $0x38;
	[tilespmem:$0x12080] =	vst v63  }
0x15a: {  	_ =	swait.ge [sflag:s21], $0x4000  }
0x15b: {  	[sflag:s21] =	ssyncset.done $0x0  }
0x15c: {  	[sflag:s21] =	ssyncadd.s32 $0xFFFFC000  }
.LBB2_9:
0x15d: {  	s0 =	simm.s32 $0x4  }
0x15e: {  	_ =	swait.ge [sflag:s0], $0x4000  }
0x15f: {  	[sflag:s0] =	ssyncset.done $0x0  }
0x160: {  	[sflag:s0] =	ssyncadd.s32 $0xFFFFC000  }
.LBB2_10:
0x161: {  	s1 =	simm.s32 $0x0  }
0x162: {  	s0 =	sand.u32 $0x60, s1;
	s3 =	sand.u32 $0x3E00, s1  }
0x163: {  	s2 =	sor.u32 s0, s3;
	s4 =	sor.u32 $0x10, s0  }
0x164: {  	v2 =	vld [tilespmem:s2+$0x6180];
	s0 =	sor.u32 s3, s4  }
0x165: {  	v3 =	vld [tilespmem:s0+$0x6180]  }
0x166: {  	s22 =	simm.s32 $0x0;
	v4 =	vld [tilespmem:s0+$0x6100]  }
0x167: {  	s5 =	sand.u32 $0xF80, s1;
	v9 =	vld [tilespmem:s22+$0x0]  }
0x168: {  	s10 =	sor.u32 s5, s4;
	v5 =	vld [tilespmem:s2+$0x6100]  }
0x169: {  	v7 =	vld [tilespmem:s10+$0x0];
	v2 =	vcvt.s32.f32 v2  }
0x16a: {  	v3 =	vcvt.s32.f32 v3  }
0x16b: {  	v6 =	vld [tilespmem:s2+$0x6080];
	v4 =	vcvt.s32.f32 v4;
	v2 =	vmul.f32 $3.174603360e-02, v2  }
0x16c: {  	v3 =	vmul.f32 $3.174603360e-02, v3  }
0x16d: {  	v5 =	vcvt.s32.f32 v5;
	v4 =	vmul.f32 $3.174603360e-02, v4;
	v2 =	vsub.f32 v2, v9  }
0x16e: {  	v3 =	vsub.f32 v3, v7  }
0x16f: {  	v8 =	vld [tilespmem:s0+$0x6080];
	v5 =	vmul.f32 $3.174603360e-02, v5;
	v4 =	vsub.f32 v4, v7;
	v2 =	vmul.f32 v2, v2  }
0x170: {  	v6 =	vcvt.s32.f32 v6;
	v3 =	vmul.f32 v3, v3  }
0x171: {  	v5 =	vsub.f32 v5, v9;
	v4 =	vmul.f32 v4, v4;
	v2 =	vmul.f32 v2, v0  }
0x172: {  	v6 =	vmul.f32 $3.174603360e-02, v6;
	v3 =	vmul.f32 v3, v0  }
0x173: {  	v5 =	vmul.f32 v5, v5;
	v4 =	vmul.f32 v4, v0;
	v2 =	vadd.f32 v2, v1  }
0x174: {  	v8 =	vcvt.s32.f32 v8;
	v6 =	vsub.f32 v6, v9;
	v3 =	vadd.f32 v3, v1  }
0x175: {  	v5 =	vmul.f32 v5, v0;
	v4 =	vadd.f32 v4, v1;
	v2 =	vmul.f32 $1.442695020e+00, v2  }
0x176: {  	v6 =	vmul.f32 v6, v6;
	v3 =	vmul.f32 $1.442695020e+00, v3  }
0x177: {  	v5 =	vadd.f32 v5, v1;
	v4 =	vmul.f32 $1.442695020e+00, v4;
	(erf) = vpow2.f32 v2  }
0x178: {  	v2 =	vmul.f32 $3.174603360e-02, v8;
	(erf) = vpow2.f32 v3  }
0x179: {  	v3 =	vmul.f32 $1.442695020e+00, v5;
	v5 =	vmul.f32 v6, v0  }
0x17a: {  	s23 =	simm.s32 $0x20;
	s24 =	simm.s32 $0x80  }
0x17b: {  	s6 =	sand.u32 $0x60, s23;
	s5 =	sand.u32 $0x3E00, s24;
	v2 =	vsub.f32 v2, v7;
	(erf) = vpow2.f32 v4;
	v4 =	vadd.f32 v5, v1  }
0x17c: {  	s7 =	sor.u32 s6, s5;
	s6 =	sor.u32 $0x10, s6;
	(erf) = vpow2.f32 v3  }
0x17d: {  	s5 =	sor.u32 s5, s6;
	v12 =	vld [tilespmem:s7+$0x6080];
	v2 =	vmul.f32 v2, v2;
	v3 =	vmul.f32 $1.442695020e+00, v4  }
0x17e: {  	v8 =	vld [tilespmem:s5+$0x6180]  }
0x17f: {  	s4 =	sand.u32 $0xF80, s23;
	v10 =	vld [tilespmem:s5+$0x6100];
	v2 =	vmul.f32 v2, v0  }
0x180: {  	s9 =	sor.u32 s4, s6;
	v6 =	vld [tilespmem:s7+$0x6180]  }
0x181: {  	v11 =	vld [tilespmem:s9+$0x0];
	(erf) = vpow2.f32 v3;
	v2 =	vadd.f32 v2, v1;
	v3 =	vpop (erf)  }
0x182: {  	v12 =	vcvt.s32.f32 v12;
	v5 =	vld [tilespmem:s7+$0x6100];
	v3 =	vmul.f32 $1.442695020e+00, v3  }
0x183: {  	s8 =	simm.s32 $0x20;
	v8 =	vcvt.s32.f32 v8;
	v2 =	vmul.f32 $1.442695020e+00, v2;
	v4 =	vpop (erf)  }
0x184: {  	(erf) = vpow2.f32 v3;
	v3 =	vmul.f32 $1.442695020e+00, v4;
	v4 =	vld [tilespmem:s8+$0x0]  }
0x185: {  	v6 =	vcvt.s32.f32 v6;
	v8 =	vmul.f32 $3.174603360e-02, v8  }
0x186: {  	v10 =	vcvt.s32.f32 v10;
	(erf) = vpow2.f32 v2  }
0x187: {  	v5 =	vcvt.s32.f32 v5;
	v6 =	vmul.f32 $3.174603360e-02, v6;
	v8 =	vsub.f32 v8, v11  }
0x188: {  	v12 =	vmul.f32 $3.174603360e-02, v12;
	v10 =	vmul.f32 $3.174603360e-02, v10  }
0x189: {  	v5 =	vmul.f32 $3.174603360e-02, v5;
	v8 =	vmul.f32 v8, v8;
	v2 =	vpop (erf);
	v6 =	vsub.f32 v6, v4  }
0x18a: {  	(erf) = vpow2.f32 v3;
	v13 =	vpop (erf);
	v2 =	vmul.f32 $1.442695020e+00, v2  }
0x18b: {  	v3 =	vmul.f32 $1.442695020e+00, v13;
	v13 =	vld [tilespmem:s5+$0x6080];
	v6 =	vmul.f32 v6, v6  }
0x18c: {  	v10 =	vsub.f32 v10, v11;
	v5 =	vsub.f32 v5, v4;
	(erf) = vpow2.f32 v2  }
0x18d: {  	v14 =	vpop (erf);
	v2 =	vmul.f32 v8, v0;
	v8 =	vsub.f32 v12, v4;
	v6 =	vmul.f32 v6, v0  }
0x18e: {  	v10 =	vmul.f32 v10, v10;
	(erf) = vpow2.f32 v3;
	v15 =	vpop (erf)  }
0x18f: {  	v5 =	vmul.f32 v5, v5;
	v8 =	vmul.f32 v8, v8;
	v16 =	vpop (erf);
	v6 =	vadd.f32 v6, v1  }
0x190: {  	v13 =	vcvt.s32.f32 v13;
	v16 =	vmul.f32 $1.442695020e+00, v16  }
0x191: {  	v3 =	vmul.f32 $1.442695020e+00, v6;
	v6 =	vmul.f32 v10, v0  }
0x192: {  	v2 =	vadd.f32 v2, v1;
	v5 =	vmul.f32 v5, v0;
	(erf) = vpow2.f32 v16  }
0x193: {  	s25 =	simm.s32 $0x40;
	s16 =	simm.s32 $0x100;
	v8 =	vmul.f32 v8, v0;
	v6 =	vadd.f32 v6, v1;
	(erf) = vpow2.f32 v3  }
0x194: {  	s30 =	sand.u32 $0x60, s25;
	s31 =	sand.u32 $0x3E00, s16;
	v5 =	vadd.f32 v5, v1;
	v10 =	vmul.f32 $1.442695020e+00, v2;
	v2 =	vld [tilespmem:s10+$0x1000];
	v3 =	vmul.f32 $3.174603360e-02, v13  }
0x195: {  	s14 =	sand.u32 $0x3, s1;
	s1 =	sor.u32 s30, s31;
	s11 =	sor.u32 $0x10, s30;
	v8 =	vadd.f32 v8, v1;
	v6 =	vmul.f32 $1.442695020e+00, v6  }
0x196: {  	s17 =	sor.u32 s31, s11;
	v18 =	vld [tilespmem:s1+$0x6080];
	v14 =	vmul.f32 $1.442695020e+00, v14;
	v5 =	vmul.f32 $1.442695020e+00, v5;
	v3 =	vsub.f32 v3, v11  }
0x197: {  	v17 =	vld [tilespmem:s17+$0x6180];
	v8 =	vmul.f32 $1.442695020e+00, v8;
	(erf) = vpow2.f32 v10  }
0x198: {  	(erf) = vpow2.f32 v14;
	v10 =	vpop (erf);
	v12 =	vmul.f32 v3, v3  }
0x199: {  	v14 =	vld [tilespmem:s1+$0x6100];
	v10 =	vmul.f32 v10, v2;
	(erf) = vpow2.f32 v6;
	v6 =	vpop (erf)  }
0x19a: {  	v3 =	vld [tilespmem:s22+$0x1000];
	(erf) = vpow2.f32 v5;
	v12 =	vmul.f32 v12, v0;
	v5 =	vpop (erf)  }
0x19b: {  	v18 =	vcvt.s32.f32 v18;
	v6 =	vmul.f32 v6, v2;
	v13 =	vpop (erf)  }
0x19c: {  	s15 =	sshll.u32 s14, $0x5;
	v17 =	vcvt.s32.f32 v17;
	[tilespmem:s0+$0xE180] =	vst v10;
	v10 =	vadd.f32 v12, v1;
	(erf) = vpow2.f32 v8;
	v16 =	vpop (erf)  }
0x19d: {  	s18 =	sadd.s32 $0x0, s15;
	v8 =	vld [tilespmem:s17+$0x6100];
	v12 =	vmul.f32 v13, v2;
	[tilespmem:s0+$0xE100] =	vst v6;
	v6 =	vmul.f32 $1.442695020e+00, v16  }
0x19e: {  	s3 =	sadd.s32 $0x10, s18;
	v14 =	vcvt.s32.f32 v14;
	v13 =	vld [tilespmem:s1+$0x6180];
	v10 =	vmul.f32 $1.442695020e+00, v10  }
0x19f: {  	v18 =	vmul.f32 $3.174603360e-02, v18;
	v5 =	vmul.f32 v5, v3;
	[tilespmem:s0+$0xE080] =	vst v12;
	s0 =	sor.u32 $0x4180, s3  }
0x1a0: {  	s4 =	sand.u32 $0xF80, s25;
	v14 =	vmul.f32 $3.174603360e-02, v14;
	v16 =	vpop (erf);
	v12 =	vmul.f32 v15, v3;
	v15 =	vld [tilespmem:s0+$0x2080]  }
0x1a1: {  	s22 =	sor.u32 s4, s11;
	v16 =	vmul.f32 $1.442695020e+00, v16;
	(erf) = vpow2.f32 v6;
	v6 =	vpop (erf)  }
0x1a2: {  	s20 =	simm.s32 $0x40;
	v21 =	vcvt.s32.f32 v8;
	v8 =	vld [tilespmem:s22+$0x0];
	(erf) = vpow2.f32 v10;
	v10 =	vpop (erf)  }
0x1a3: {  	v13 =	vcvt.s32.f32 v13;
	v19 =	vmul.f32 v6, v3;
	v6 =	vld [tilespmem:s20+$0x0];
	v20 =	vpop (erf)  }
0x1a4: {  	(erf) = vpow2.f32 v16;
	v16 =	vmul.f32 $1.442695020e+00, v20;
	v20 =	vld [tilespmem:s17+$0x6080]  }
0x1a5: {  	[tilespmem:s2+$0xE100] =	vst v5;
	v5 =	vmul.f32 $3.174603360e-02, v17;
	v15 =	vcvt.s32.f32 v15  }
0x1a6: {  	v21 =	vmul.f32 $3.174603360e-02, v21;
	v13 =	vmul.f32 $3.174603360e-02, v13;
	v22 =	vpop (erf)  }
0x1a7: {  	v17 =	vmul.f32 $1.442695020e+00, v22;
	v22 =	vsub.f32 v5, v8;
	v15 =	vmul.f32 $3.174603360e-02, v15  }
0x1a8: {  	[tilespmem:s2+$0xE180] =	vst v12;
	v10 =	vmul.f32 $1.442695020e+00, v10;
	v13 =	vsub.f32 v13, v6;
	v12 =	vsub.f32 v14, v6  }
0x1a9: {  	[tilespmem:s2+$0xE080] =	vst v19;
	s2 =	sor.u32 $0x4180, s18;
	v7 =	vsub.f32 v15, v7;
	v15 =	vmul.f32 v22, v22;
	v14 =	vcvt.s32.f32 v20  }
0x1aa: {  	v19 =	vld [tilespmem:s2+$0x2080];
	v13 =	vmul.f32 v13, v13;
	v20 =	vsub.f32 v21, v8;
	v21 =	vpop (erf);
	v12 =	vmul.f32 v12, v12  }
0x1ab: {  	v5 =	vpop (erf);
	(erf) = vpow2.f32 v10;
	v7 =	vmul.f32 v7, v7  }
0x1ac: {  	v15 =	vmul.f32 v15, v0;
	v13 =	vmul.f32 v13, v0  }
0x1ad: {  	v10 =	vmul.f32 v20, v20;
	v20 =	vmul.f32 $1.442695020e+00, v5  }
0x1ae: {  	v18 =	vsub.f32 v18, v6;
	v14 =	vmul.f32 $3.174603360e-02, v14;
	(erf) = vpow2.f32 v16  }
0x1af: {  	v5 =	vld [tilespmem:s9+$0x1000];
	v16 =	vcvt.s32.f32 v19;
	v12 =	vmul.f32 v12, v0;
	v13 =	vadd.f32 v13, v1  }
0x1b0: {  	(erf) = vpow2.f32 v20;
	v14 =	vsub.f32 v14, v8;
	v10 =	vmul.f32 v10, v0  }
0x1b1: {  	v20 =	vmul.f32 v7, v0;
	v7 =	vadd.f32 v15, v1;
	v15 =	vmul.f32 v18, v18  }
0x1b2: {  	v12 =	vadd.f32 v12, v1;
	v13 =	vmul.f32 $1.442695020e+00, v13;
	v14 =	vmul.f32 v14, v14  }
0x1b3: {  	v19 =	vpop (erf);
	v10 =	vadd.f32 v10, v1;
	v22 =	vmul.f32 $1.442695020e+00, v7;
	v15 =	vmul.f32 v15, v0  }
0x1b4: {  	s23 =	simm.s32 $0x60;
	v7 =	vld [tilespmem:s8+$0x1000];
	v12 =	vmul.f32 $1.442695020e+00, v12;
	v19 =	vmul.f32 v19, v5  }
0x1b5: {  	s15 =	simm.s32 $0x180;
	s24 =	sand.u32 $0x60, s23;
	(erf) = vpow2.f32 v13;
	v10 =	vmul.f32 $1.442695020e+00, v10;
	v15 =	vadd.f32 v15, v1  }
0x1b6: {  	s25 =	sand.u32 $0x3E00, s15;
	s6 =	sor.u32 $0x10, s24;
	v14 =	vmul.f32 v14, v0;
	(erf) = vpow2.f32 v22  }
0x1b7: {  	s11 =	sor.u32 s25, s6;
	v18 =	vpop (erf);
	(erf) = vpow2.f32 v17;
	v15 =	vmul.f32 $1.442695020e+00, v15  }
0x1b8: {  	v22 =	vld [tilespmem:s11+$0x6100];
	v17 =	vadd.f32 v20, v1;
	(erf) = vpow2.f32 v10;
	v10 =	vmul.f32 $3.174603360e-02, v16  }
0x1b9: {  	v14 =	vadd.f32 v14, v1;
	v13 =	vmul.f32 v18, v5;
	v16 =	vpop (erf);
	v18 =	vmul.f32 v21, v7;
	v21 =	vld [tilespmem:s11+$0x6180]  }
0x1ba: {  	s9 =	sor.u32 s24, s25;
	(erf) = vpow2.f32 v12;
	v12 =	vmul.f32 v16, v7;
	v16 =	vpop (erf);
	v9 =	vsub.f32 v10, v9  }
0x1bb: {  	v14 =	vmul.f32 $1.442695020e+00, v14;
	[tilespmem:s5+$0xE100] =	vst v13;
	v13 =	vld [tilespmem:s9+$0x6080];
	v10 =	vmul.f32 v16, v5  }
0x1bc: {  	v16 =	vmul.f32 $1.442695020e+00, v17;
	v17 =	vld [tilespmem:s9+$0x6100];
	v9 =	vmul.f32 v9, v9  }
0x1bd: {  	(erf) = vpow2.f32 v15;
	v22 =	vcvt.s32.f32 v22  }
0x1be: {  	s30 =	simm.s32 $0x1;
	v21 =	vcvt.s32.f32 v21;
	v15 =	vpop (erf);
	v9 =	vmul.f32 v9, v0  }
0x1bf: {  	s14 =	sand.u32 $0x3, s30;
	[tilespmem:s5+$0xE180] =	vst v19;
	v20 =	vld [tilespmem:s9+$0x6180];
	(erf) = vpow2.f32 v16;
	v15 =	vmul.f32 $1.442695020e+00, v15  }
0x1c0: {  	s31 =	sshll.u32 s14, $0x5;
	v24 =	vld [tilespmem:s11+$0x6080];
	[tilespmem:s5+$0xE080] =	vst v10;
	s5 =	simm.s32 $0x60;
	v19 =	vpop (erf);
	v25 =	vcvt.s32.f32 v13;
	v21 =	vmul.f32 $3.174603360e-02, v21  }
0x1c1: {  	s14 =	sadd.s32 $0x80, s31;
	v10 =	vld [tilespmem:s5+$0x0];
	v16 =	vpop (erf);
	v19 =	vmul.f32 $1.442695020e+00, v19;
	v17 =	vcvt.s32.f32 v17  }
0x1c2: {  	s8 =	sadd.s32 $0x10, s14;
	(erf) = vpow2.f32 v15;
	v16 =	vmul.f32 v16, v7  }
0x1c3: {  	s8 =	sor.u32 $0x4180, s8;
	(erf) = vpow2.f32 v14;
	v17 =	vmul.f32 $3.174603360e-02, v17;
	v15 =	vpop (erf)  }
0x1c4: {  	s4 =	sand.u32 $0xF80, s23;
	v14 =	vld [tilespmem:s8+$0x2080];
	v23 =	vpop (erf);
	(erf) = vpow2.f32 v19;
	v19 =	vcvt.s32.f32 v20  }
0x1c5: {  	s24 =	sor.u32 s4, s6;
	v59 =	vmul.f32 $3.174603360e-02, v25;
	v20 =	vmul.f32 $1.442695020e+00, v23;
	v23 =	vadd.f32 v9, v1  }
0x1c6: {  	[tilespmem:s7+$0xE100] =	vst v12;
	v12 =	vsub.f32 v17, v10;
	v17 =	vcvt.s32.f32 v24;
	v9 =	vld [tilespmem:s24+$0x0];
	v13 =	vmul.f32 $3.174603360e-02, v19  }
0x1c7: {  	v19 =	vmul.f32 $3.174603360e-02, v22;
	v22 =	vmul.f32 $1.442695020e+00, v23  }
0x1c8: {  	v15 =	vmul.f32 $1.442695020e+00, v15;
	v12 =	vmul.f32 v12, v12;
	v13 =	vsub.f32 v13, v10  }
0x1c9: {  	v26 =	vcvt.s32.f32 v14;
	v23 =	vpop (erf);
	(erf) = vpow2.f32 v22  }
0x1ca: {  	v17 =	vmul.f32 $3.174603360e-02, v17;
	v61 =	vmul.f32 v12, v0  }
0x1cb: {  	[tilespmem:s7+$0xE080] =	vst v16;
	v22 =	vmul.f32 $3.174603360e-02, v26;
	v14 =	vmul.f32 $1.442695020e+00, v23;
	v16 =	vsub.f32 v19, v9;
	v19 =	vpop (erf)  }
0x1cc: {  	[tilespmem:s7+$0xE180] =	vst v18;
	s7 =	sor.u32 $0x4180, s14;
	v18 =	vmul.f32 v13, v13;
	(erf) = vpow2.f32 v15;
	v13 =	vpop (erf)  }
0x1cd: {  	v23 =	vld [tilespmem:s7+$0x2080];
	v21 =	vsub.f32 v21, v9;
	v19 =	vmul.f32 $1.442695020e+00, v19;
	(erf) = vpow2.f32 v20;
	v60 =	vpop (erf)  }
0x1ce: {  	v17 =	vsub.f32 v17, v9;
	v16 =	vmul.f32 v16, v16;
	v25 =	vmul.f32 $1.442695020e+00, v60  }
0x1cf: {  	v20 =	vsub.f32 v22, v11;
	v18 =	vmul.f32 v18, v0;
	v21 =	vmul.f32 v21, v21  }
0x1d0: {  	v11 =	vld [tilespmem:s22+$0x1000];
	v16 =	vmul.f32 v16, v0;
	(erf) = vpow2.f32 v25  }
0x1d1: {  	v62 =	vmul.f32 v17, v17;
	v20 =	vmul.f32 v20, v20;
	v18 =	vadd.f32 v18, v1;
	v22 =	vpop (erf)  }
0x1d2: {  	v21 =	vmul.f32 v21, v0;
	v15 =	vcvt.s32.f32 v23;
	v16 =	vadd.f32 v16, v1;
	v23 =	vpop (erf)  }
0x1d3: {  	v12 =	vld [tilespmem:s20+$0x1000];
	v20 =	vmul.f32 v20, v0;
	v23 =	vmul.f32 $1.442695020e+00, v23  }
0x1d4: {  	v24 =	vsub.f32 v59, v10;
	v18 =	vmul.f32 $1.442695020e+00, v18;
	(erf) = vpow2.f32 v19  }
0x1d5: {  	v22 =	vmul.f32 v22, v11;
	v21 =	vadd.f32 v21, v1;
	(erf) = vpow2.f32 v23  }
0x1d6: {  	v19 =	vmul.f32 v24, v24;
	v17 =	vmul.f32 $1.442695020e+00, v16;
	v16 =	vpop (erf)  }
0x1d7: {  	v23 =	vmul.f32 $1.442695020e+00, v21;
	v63 =	vmul.f32 v16, v11;
	v16 =	vpop (erf)  }
0x1d8: {  	s10 =	simm.s32 $0x80;
	[tilespmem:s17+$0xE180] =	vst v22;
	v21 =	vadd.f32 v61, v1;
	(erf) = vpow2.f32 v18;
	v16 =	vmul.f32 v16, v12  }
0x1d9: {  	s3 =	simm.s32 $0x6;
	s25 =	simm.s32 $0x180;
	s14 =	simm.s32 $0x2;
	v22 =	vmul.f32 v62, v0;
	v18 =	vadd.f32 v20, v1;
	(erf) = vpow2.f32 v23;
	[tilespmem:s17+$0xE100] =	vst v63;
	v20 =	vpop (erf)  }
.LBB2_11:
0x1da: {  	s4 =	sand.u32 $0x60, s10;
	v21 =	vmul.f32 $1.442695020e+00, v21;
	s15 =	sadd.s32 $0x80, s15;
	s6 =	sand.u32 $0x3, s14;
	[tilespmem:s1+$0xE100] =	vst v16;
	(erf) = vpow2.f32 v14  }
0x1db: {  	s18 =	sand.u32 $0xF80, s10;
	v14 =	vmul.f32 v19, v0;
	v20 =	vmul.f32 v20, v11;
	s20 =	sand.u32 $0x3E00, s15;
	s22 =	sor.u32 $0x10, s4;
	v16 =	vadd.f32 v22, v1  }
0x1dc: {  	v15 =	vmul.f32 $3.174603360e-02, v15;
	s23 =	sor.u32 s4, s20;
	s18 =	sor.u32 s18, s22;
	s20 =	sor.u32 s20, s22;
	(erf) = vpow2.f32 v17  }
0x1dd: {  	s3 =	sadd.s32 $0x2, s3;
	v18 =	vmul.f32 $1.442695020e+00, v18;
	v14 =	vadd.f32 v14, v1;
	s4 =	sshll.u32 s6, $0x5;
	v17 =	vld [tilespmem:s18+$0x0];
	(erf) = vpow2.f32 v21;
	[tilespmem:s17+$0xE080] =	vst v20;
	v19 =	vpop (erf);
	s17 =	smov.u32 s11  }
0x1de: {  	v13 =	vmul.f32 v13, v12;
	p0 =	slt.u32 s3, $0xFE;
	v15 =	vsub.f32 v15, v4;
	s4 =	sadd.s32 s4, s16;
	s16 =	smov.u32 s25;
	v20 =	vld [tilespmem:s23+$0x6100];
	v19 =	vmul.f32 v19, v2;
	v2 =	vpop (erf)  }
0x1df: {  	v4 =	vmovc v6;
	v6 =	vmovc v10;
	s25 =	smov.u32 s15;
	s11 =	smov.u32 s20;
	v14 =	vmul.f32 $1.442695020e+00, v14;
	s6 =	sadd.s32 $0x10, s4;
	v21 =	vld [tilespmem:s23+$0x6180];
	v22 =	vmul.f32 v2, v3;
	v2 =	vmov v5  }
0x1e0: {  	s14 =	sadd.s32 $0x1, s14;
	s20 =	sshra.s32 s15, $0x2;
	v10 =	vmul.f32 v15, v15;
	s6 =	sor.u32 $0x4180, s6;
	v5 =	vmovc v11;
	v3 =	vmov v7;
	v7 =	vmov v12;
	v23 =	vld [tilespmem:s11+$0x6180];
	[tilespmem:s0+$0xA080] =	vst v19  }
0x1e1: {  	s0 =	smov.u32 s8;
	s8 =	smov.u32 s6;
	(erf) = vpow2.f32 v14;
	v11 =	vpop (erf);
	v12 =	vld [tilespmem:s6+$0x2080];
	[tilespmem:s2+$0xA080] =	vst v22;
	s2 =	smov.u32 s7  }
0x1e2: {  	v10 =	vmul.f32 v10, v0;
	v14 =	vld [tilespmem:s23+$0x6080];
	v11 =	vmul.f32 $1.442695020e+00, v11;
	v15 =	vpop (erf);
	[tilespmem:s1+$0xE180] =	vst v13  }
0x1e3: {  	v22 =	vmul.f32 $1.442695020e+00, v16;
	v13 =	vld [tilespmem:s11+$0x6100];
	v19 =	vpop (erf);
	(erf) = vpow2.f32 v18  }
0x1e4: {  	v15 =	vmul.f32 $1.442695020e+00, v15;
	(erf) = vpow2.f32 v11;
	v11 =	vadd.f32 v10, v1  }
0x1e5: {  	v18 =	vmul.f32 v19, v7;
	(erf) = vpow2.f32 v22;
	v16 =	vpop (erf)  }
0x1e6: {  	v19 =	vcvt.s32.f32 v20;
	v10 =	vld [tilespmem:s20+$0x0];
	v20 =	vpop (erf);
	(erf) = vpow2.f32 v15  }
0x1e7: {  	v15 =	vcvt.s32.f32 v21;
	v20 =	vmul.f32 $1.442695020e+00, v20;
	[tilespmem:s1+$0xE080] =	vst v18;
	s1 =	smov.u32 s9;
	s9 =	smov.u32 s23  }
0x1e8: {  	s7 =	sor.u32 $0x4180, s4;
	v21 =	vcvt.s32.f32 v23;
	v18 =	vld [tilespmem:s11+$0x6080];
	v13 =	vcvt.s32.f32 v13  }
0x1e9: {  	v22 =	vcvt.s32.f32 v14;
	v14 =	vmul.f32 $3.174603360e-02, v15;
	v15 =	vld [tilespmem:s7+$0x2080]  }
0x1ea: {  	v11 =	vmul.f32 $1.442695020e+00, v11;
	v26 =	vmul.f32 $3.174603360e-02, v13;
	v23 =	vpop (erf)  }
0x1eb: {  	v19 =	vmul.f32 $3.174603360e-02, v19;
	v12 =	vcvt.s32.f32 v12;
	v27 =	vsub.f32 v14, v10  }
0x1ec: {  	v21 =	vmul.f32 $3.174603360e-02, v21;
	v14 =	vmul.f32 $1.442695020e+00, v23;
	v25 =	vsub.f32 v26, v17;
	v23 =	vpop (erf)  }
0x1ed: {  	v19 =	vsub.f32 v19, v10;
	v18 =	vcvt.s32.f32 v18;
	v13 =	vpop (erf);
	(erf) = vpow2.f32 v11  }
0x1ee: {  	v12 =	vmul.f32 $3.174603360e-02, v12;
	v21 =	vsub.f32 v21, v17;
	v11 =	vmul.f32 v27, v27;
	v24 =	vpop (erf)  }
0x1ef: {  	v16 =	vmul.f32 $1.442695020e+00, v16;
	v19 =	vmul.f32 v19, v19;
	v26 =	vpop (erf)  }
0x1f0: {  	v22 =	vmul.f32 $3.174603360e-02, v22;
	v12 =	vsub.f32 v12, v8;
	v8 =	vmovc v9;
	v9 =	vmovc v17;
	v11 =	vmul.f32 v11, v0  }
0x1f1: {  	v23 =	vmul.f32 $1.442695020e+00, v23;
	v17 =	vmul.f32 v25, v25  }
0x1f2: {  	v24 =	vmul.f32 $1.442695020e+00, v24;
	v11 =	vadd.f32 v11, v1;
	(erf) = vpow2.f32 v16  }
0x1f3: {  	v18 =	vmul.f32 $3.174603360e-02, v18;
	v16 =	vsub.f32 v22, v10;
	(erf) = vpow2.f32 v20  }
0x1f4: {  	v21 =	vmul.f32 v21, v21;
	v20 =	vmul.f32 $1.442695020e+00, v11;
	v11 =	vld [tilespmem:s24+$0x1000];
	s24 =	smov.u32 s18  }
0x1f5: {  	v15 =	vcvt.s32.f32 v15;
	v18 =	vsub.f32 v18, v9;
	(erf) = vpow2.f32 v24  }
0x1f6: {  	v17 =	vmul.f32 v17, v0;
	v22 =	vmul.f32 v12, v12;
	v12 =	vpop (erf)  }
0x1f7: {  	v24 =	vmul.f32 v19, v0;
	v19 =	vmul.f32 $1.442695020e+00, v12  }
0x1f8: {  	v21 =	vmul.f32 v21, v0;
	v22 =	vmul.f32 v22, v0;
	v12 =	vld [tilespmem:s5+$0x1000];
	s5 =	smov.u32 s20  }
0x1f9: {  	v17 =	vadd.f32 v17, v1;
	v25 =	vmul.f32 v26, v11;
	(erf) = vpow2.f32 v23  }
.Ltmp5:
0x1fa: {  	v23 =	vmul.f32 v18, v18;
	v18 =	vadd.f32 v21, v1;
	(erf) = vpow2.f32 v19;
	(pc) =	sbr.rel @p0 .LBB2_11-.Ltmp5, $4  }
0x1fb: {  	v17 =	vmul.f32 $1.442695020e+00, v17;
	v21 =	vadd.f32 v24, v1;
	v19 =	vmul.f32 v16, v16;
	[tilespmem:s17+$0xE180] =	vst v25;
	v16 =	vpop (erf)  }
0x1fc: {  	v24 =	vmul.f32 $1.442695020e+00, v18;
	v18 =	vadd.f32 v22, v1;
	v25 =	vmul.f32 v16, v11;
	v16 =	vpop (erf)  }
0x1fd: {  	(erf) = vpow2.f32 v20;
	v16 =	vmul.f32 v16, v12  }
0x1fe: {  	s10 =	sadd.s32 $0x20, s10;
	v22 =	vmul.f32 v23, v0;
	(erf) = vpow2.f32 v24;
	[tilespmem:s17+$0xE100] =	vst v25;
	v20 =	vpop (erf)  }
0x1ff: {  	_ = 	snop  }
0x200: {  	v15 =	vmul.f32 $3.174603360e-02, v15  }
0x201: {  	v19 =	vmul.f32 v19, v0  }
0x202: {  	v15 =	vsub.f32 v15, v4  }
0x203: {  	v21 =	vmul.f32 $1.442695020e+00, v21;
	(erf) = vpow2.f32 v14;
	v19 =	vadd.f32 v19, v1  }
0x204: {  	v18 =	vmul.f32 $1.442695020e+00, v18;
	v4 =	vpop (erf);
	v15 =	vmul.f32 v15, v15  }
0x205: {  	(erf) = vpow2.f32 v17;
	v14 =	vpop (erf);
	v61 =	vmul.f32 $1.442695020e+00, v19  }
0x206: {  	v62 =	vadd.f32 v22, v1;
	(erf) = vpow2.f32 v21;
	v15 =	vmul.f32 v15, v0;
	v63 =	vpop (erf)  }
0x207: {  	(erf) = vpow2.f32 v61;
	v24 =	vmul.f32 $1.442695020e+00, v63  }
0x208: {  	v19 =	vmul.f32 $1.442695020e+00, v62;
	v25 =	vpop (erf);
	(erf) = vpow2.f32 v18;
	v15 =	vadd.f32 v15, v1  }
0x209: {  	v26 =	vmul.f32 $1.442695020e+00, v25;
	(erf) = vpow2.f32 v24  }
0x20a: {  	v15 =	vmul.f32 $1.442695020e+00, v15;
	(erf) = vpow2.f32 v19  }
0x20b: {  	(erf) = vpow2.f32 v26  }
0x20c: {  	(erf) = vpow2.f32 v15  }
0x20d: {  	v27 =	vpop (erf)  }
0x20e: {  	v28 =	vpop (erf)  }
0x20f: {  	v29 =	vpop (erf)  }
0x210: {  	v30 =	vpop (erf)  }
0x211: {  	v20 =	vmul.f32 v20, v11;
	v31 =	vpop (erf)  }
0x212: {  	s3 =	sand.u32 $0x3, s14;
	v13 =	vmul.f32 v13, v12;
	v17 =	vmul.f32 $1.442695020e+00, v28;
	v32 =	vpop (erf)  }
0x213: {  	s3 =	sshll.u32 s3, $0x5;
	v15 =	vmul.f32 v27, v12;
	v18 =	vmul.f32 $1.442695020e+00, v29;
	v23 =	vpop (erf)  }
0x214: {  	[tilespmem:s1+$0xE100] =	vst v16;
	s4 =	sadd.s32 s3, s16;
	(erf) = vpow2.f32 v17;
	v33 =	vpop (erf);
	v34 =	vmul.f32 $1.442695020e+00, v23  }
0x215: {  	[tilespmem:s17+$0xE080] =	vst v20;
	s3 =	sadd.s32 $0x10, s4;
	v35 =	vmul.f32 $1.442695020e+00, v31;
	(erf) = vpow2.f32 v18;
	v36 =	vpop (erf)  }
0x216: {  	[tilespmem:s1+$0xE180] =	vst v13;
	s3 =	sor.u32 $0x4180, s3;
	(erf) = vpow2.f32 v34;
	v37 =	vmul.f32 $1.442695020e+00, v36  }
0x217: {  	s23 =	sor.u32 $0x4180, s4;
	v38 =	vld [tilespmem:s3+$0x2080];
	[tilespmem:s1+$0xE080] =	vst v15;
	v39 =	vmul.f32 $1.442695020e+00, v30;
	(erf) = vpow2.f32 v35  }
0x218: {  	v40 =	vld [tilespmem:s23+$0x2080];
	(erf) = vpow2.f32 v37  }
0x219: {  	v42 =	vld [tilespmem:s5+$0x1000];
	(erf) = vpow2.f32 v39  }
0x21a: {  	v41 =	vld [tilespmem:s24+$0x1000];
	_ =	sdelay $0x1  }
0x21b: {  	v17 =	vcvt.s32.f32 v38  }
0x21c: {  	v18 =	vcvt.s32.f32 v40;
	v43 =	vpop (erf)  }
0x21d: {  	v17 =	vmul.f32 $3.174603360e-02, v17;
	v50 =	vmul.f32 v32, v42;
	v44 =	vpop (erf)  }
0x21e: {  	s24 =	sadd.s32 $0x1, s14;
	v16 =	vmul.f32 v33, v41;
	v18 =	vmul.f32 $3.174603360e-02, v18;
	v45 =	vpop (erf)  }
0x21f: {  	s4 =	sand.u32 $0x3, s24;
	v8 =	vsub.f32 v17, v8;
	[tilespmem:s9+$0xE180] =	vst v50;
	v19 =	vmul.f32 v43, v41;
	v47 =	vpop (erf)  }
0x220: {  	s4 =	sshll.u32 s4, $0x5;
	[tilespmem:s11+$0xE180] =	vst v16;
	v6 =	vsub.f32 v18, v6;
	v46 =	vmul.f32 v44, v42;
	v49 =	vpop (erf)  }
0x221: {  	s4 =	sadd.s32 s4, s25;
	v8 =	vmul.f32 v8, v8;
	[tilespmem:s11+$0xE100] =	vst v19;
	v48 =	vmul.f32 v45, v41;
	v51 =	vpop (erf)  }
0x222: {  	s25 =	sadd.s32 $0x10, s4;
	v6 =	vmul.f32 v6, v6;
	[tilespmem:s9+$0xE100] =	vst v46;
	v52 =	vmul.f32 v51, v42  }
0x223: {  	s5 =	sor.u32 $0x4180, s25;
	v8 =	vmul.f32 v8, v0;
	[tilespmem:s11+$0xE080] =	vst v48  }
0x224: {  	s4 =	sor.u32 $0x4180, s4;
	v6 =	vmul.f32 v6, v0;
	v53 =	vld [tilespmem:s5+$0x2080];
	[tilespmem:s9+$0xE080] =	vst v52  }
0x225: {  	v8 =	vadd.f32 v8, v1;
	v19 =	vld [tilespmem:s4+$0x2080]  }
0x226: {  	v6 =	vadd.f32 v6, v1  }
0x227: {  	v8 =	vmul.f32 $1.442695020e+00, v8  }
0x228: {  	v6 =	vmul.f32 $1.442695020e+00, v6  }
0x229: {  	(erf) = vpow2.f32 v8;
	v54 =	vcvt.s32.f32 v53  }
0x22a: {  	(erf) = vpow2.f32 v6;
	v55 =	vcvt.s32.f32 v19  }
0x22b: {  	v8 =	vmul.f32 $3.174603360e-02, v54  }
0x22c: {  	v6 =	vmul.f32 $3.174603360e-02, v55  }
0x22d: {  	v8 =	vsub.f32 v8, v9  }
0x22e: {  	v6 =	vsub.f32 v6, v10  }
0x22f: {  	v8 =	vmul.f32 v8, v8  }
0x230: {  	v6 =	vmul.f32 v6, v6  }
0x231: {  	v8 =	vmul.f32 v8, v0  }
0x232: {  	v56 =	vpop (erf);
	v6 =	vmul.f32 v6, v0  }
0x233: {  	v57 =	vpop (erf);
	v9 =	vmul.f32 $1.442695020e+00, v56;
	v8 =	vadd.f32 v8, v1  }
0x234: {  	v10 =	vmul.f32 $1.442695020e+00, v57;
	v6 =	vadd.f32 v6, v1  }
0x235: {  	(erf) = vpow2.f32 v9;
	v8 =	vmul.f32 $1.442695020e+00, v8  }
0x236: {  	(erf) = vpow2.f32 v10;
	v6 =	vmul.f32 $1.442695020e+00, v6  }
0x237: {  	(erf) = vpow2.f32 v8  }
0x238: {  	(erf) = vpow2.f32 v6;
	_ =	sdelay $0x5  }
0x239: {  	v58 =	vpop (erf)  }
0x23a: {  	v59 =	vpop (erf)  }
0x23b: {  	v60 =	vpop (erf)  }
0x23c: {  	v9 =	vmul.f32 $1.442695020e+00, v60;
	v61 =	vpop (erf)  }
0x23d: {  	v10 =	vmul.f32 $1.442695020e+00, v61  }
0x23e: {  	(erf) = vpow2.f32 v9  }
0x23f: {  	(erf) = vpow2.f32 v10;
	_ =	sdelay $0x2  }
0x240: {  	v2 =	vmul.f32 v4, v2  }
0x241: {  	v3 =	vmul.f32 v14, v3  }
0x242: {  	[tilespmem:s0+$0xA080] =	vst v2;
	v2 =	vmul.f32 v47, v5  }
0x243: {  	[tilespmem:s2+$0xA080] =	vst v3;
	v3 =	vmul.f32 v49, v7  }
0x244: {  	s28 =	sadd.s32 $0x1, s28;
	[tilespmem:s8+$0xA080] =	vst v2;
	v2 =	vmul.f32 v58, v11  }
0x245: {  	p0 =	sne.s32 s28, $0x8;
	[tilespmem:s7+$0xA080] =	vst v3;
	v3 =	vmul.f32 v59, v12;
	v62 =	vpop (erf)  }
.Ltmp6:
0x246: {  	[tilespmem:s3+$0xA080] =	vst v2;
	v2 =	vmul.f32 v62, v41;
	v63 =	vpop (erf);
	(pc) =	sbr.rel @p0 .LBB2_4-.Ltmp6, $4  }
0x247: {  	[tilespmem:s23+$0xA080] =	vst v3;
	v3 =	vmul.f32 v63, v42  }
0x248: {  	[tilespmem:s5+$0xA080] =	vst v2  }
0x249: {  	s30 =	sadd.s32 s19, s29;
	s31 =	simm.s32 $0xE080;
	[tilespmem:s4+$0xA080] =	vst v3  }
0x24a: {  	[hbm4b:s30+s12] =	stream.strided.scatter [tilespmem:s31], [sflag:$0x4], $0x4000, s13, s12, $0x38;
	[tilespmem:$0x12080] =	vst v63  }
0x24b: {  	s0 =	simm.s32 $0x3  }
0x24c: {  	_ =	swait.ge [sflag:s0], $0x4000  }
0x24d: {  	[sflag:s0] =	ssyncset.done $0x0  }
0x24e: {  	s1 =	simm.s32 $0x4;
	[sflag:s0] =	ssyncadd.s32 $0xFFFFC000  }
0x24f: {  	_ =	swait.ge [sflag:s1], $0x4000  }
0x250: {  	s2 =	rddreg [dreg:$0xb]  }
0x251: {  	s31 =	rddreg [dreg:$0xa];
	s2 =	sadd.s32 $0x1, s2  }
0x252: {  	p0 =	sne.s32 s2, s31  }
.Ltmp7:
0x253: {  	_ = 	snop;
	(pc) =	sbr.rel @p0 .LBB2_1-.Ltmp7, $3  }
0x254: {  	_ =	sdelay $0x1  }
0x255: {  	[sflag:s1] =	ssyncset.done $0x0  }
0x256: {  	[sflag:s1] =	ssyncadd.s32 $0xFFFFC000  }
0x257: {  	_ =	sfence.sel $0x180000  }
0x258: {  	[bflag:$0x0] =	sbarrier.arrive $0xFFFF  }
0x259: {  	_ =	strace $0x90000047  }
0x25a: {  	s0 =	stileid.u32;
	[bflag:$0x2] =	sbarrier.arrive $0xFFFF  }
0x25b: {  	p0 =	sne.s32 s0, $0x0;
	s0 =	rddreg [dreg:$0x4]  }
0x25c: {  	s0 =	sadd.s32 @!p0 $0x100000, s0  }
0x25d: {  	[sflag:s0] =	ssyncadd.tile.s32 @!p0 $0x1;
	_ =	shalt  }
.Lfunc_end2:
_tile_overlayer_lowered:
.L_overlay_start_2:
0x25e: {  	(tag) =	ssettag $0x2  }
0x25f: {  	s0 =	rddreg [dreg:$0x0];
	s2 =	stileid.u32  }
0x260: {  	s1 =	rddreg [dreg:$0x1];
	p0 =	sne.s32 s2, $0x0  }
0x261: {  	s3 =	rddreg [dreg:$0x2];
	[bflag:$0x3] =	sbarrier.arrive $0xFFFF;
	s2 =	simm.s32 @!p0 $0x1C05  }
0x262: {  	[timem:s3], [sflag:s2] =	dma.local @!p0 [hbm:s0], s1  }
0x263: {  	s0 =	simm.s32 @!p0 $0x5  }
0x264: {  	_ =	swait.ge @!p0 [sflag:s0], s1  }
0x265: {  	s1 =	ssub.s32 @!p0 $0x0, s1;
	[sflag:s0] =	ssyncset.done @!p0 $0x0  }
0x266: {  	[sflag:s0] =	ssyncadd.s32 @!p0 s1  }
0x267: {  	[bflag:$0x3] =	sbarrier.arrive $0xFFFF  }
0x268: {  	_ =	shalt  }

</sc_bundles>
